<compile_context>
chip_gen: v7x
topology: tpu7x:2x2x1
jax: 0.10.2.dev20260603
libtpu: 0.0.44.dev20260713+nightly
codegen_flags: <defaults>
</compile_context>

<pallas_src>
import functools

import jax
import jax.numpy as jnp
from jax import lax
from jax.experimental import pallas as pl
from jax.experimental.pallas import tpu as pltpu
from jax.experimental.pallas import tpu_sc as plsc

_VOCAB = 1000
_MAX_LEN = 20
_HIDDEN = 32
_BATCH = 1024
_IN_F = _MAX_LEN * _HIDDEN
_OUT_F = _MAX_LEN * _VOCAB

_NC, _NS = 2, 16
_NW = _NC * _NS
_B_TOTAL = _BATCH * _MAX_LEN
_B_PER_W = _B_TOTAL // _NW


_PAD_W = 128


_B_PER_SUBCORE = _BATCH // _NW
_HALF = 16
_BT = 2


def _sc_gather(table_pad, idx_flat):
    mesh = plsc.VectorSubcoreMesh(core_axis_name="c", subcore_axis_name="s")

    @functools.partial(
        pl.kernel,
        mesh=mesh,
        out_type=jax.ShapeDtypeStruct((_BATCH, _IN_F), jnp.float32),
        scratch_types=[
            pltpu.VMEM((_B_PER_W,), jnp.int32),
            pltpu.VMEM((_B_PER_W, _PAD_W), jnp.float32),
            pltpu.VMEM((_B_PER_SUBCORE, _IN_F), jnp.float32),
            pltpu.VMEM_SHARED((_VOCAB, _PAD_W), jnp.float32),
            pltpu.SemaphoreType.DMA,
        ],
    )
    def k(table_hbm, xt_hbm, out_hbm, idx_v, rows_v, comp_v, stab, sem):
        sid = lax.axis_index("s")
        wid = sid * _NC + lax.axis_index("c")
        b0 = wid * _B_PER_SUBCORE

        @pl.when(sid == 0)
        def _():
            pltpu.sync_copy(table_hbm, stab)

        idx_copies = [
            pltpu.async_copy(
                xt_hbm.at[t, pl.ds(b0, _B_PER_SUBCORE)],
                idx_v.at[pl.ds(t * _B_PER_SUBCORE, _B_PER_SUBCORE)], sem)
            for t in range(_MAX_LEN)
        ]
        for c in idx_copies:
            c.wait()
        plsc.subcore_barrier()
        pltpu.async_copy(stab.at[idx_v], rows_v, sem).wait()

        @pl.loop(0, _B_PER_SUBCORE)
        def _(s):
            for t in range(_MAX_LEN):
                r = t * _B_PER_SUBCORE + s
                comp_v[s, pl.ds(t * _HIDDEN, _HALF)] = rows_v[r, pl.ds(0, _HALF)]
                comp_v[s, pl.ds(t * _HIDDEN + _HALF, _HALF)] = (
                    rows_v[r, pl.ds(_HALF, _HALF)])

        pltpu.sync_copy(comp_v, out_hbm.at[pl.ds(b0, _B_PER_SUBCORE)])

    return k(table_pad, idx_flat)


def _mm_body(fin_ref, w_ref, b_ref, out_ref, flat_ref):
    t = pl.program_id(0)

    @pl.when(t == 0)
    def _():
        flat_ref[...] = fin_ref[...].astype(jnp.bfloat16)

    w = w_ref[...].astype(jnp.bfloat16)
    acc = lax.dot_general(
        w, flat_ref[...],
        (((1,), (1,)), ((), ())),
        preferred_element_type=jnp.float32,
    )
    for k in range(_BT):
        bcol = b_ref[k].reshape(_VOCAB, 1)
        out_ref[k] = acc[k * _VOCAB:(k + 1) * _VOCAB, :] + bcol


def _projection(flat2d, W, b3):
    return pl.pallas_call(
        _mm_body,
        grid=(_MAX_LEN // _BT,),
        in_specs=[
            pl.BlockSpec((_BATCH, _IN_F), lambda j: (0, 0)),
            pl.BlockSpec((_BT * _VOCAB, _IN_F), lambda j: (j, 0)),
            pl.BlockSpec((_BT, 1, _VOCAB), lambda j: (j, 0, 0)),
        ],
        out_specs=pl.BlockSpec((_BT, _VOCAB, _BATCH), lambda j: (j, 0, 0)),
        out_shape=jax.ShapeDtypeStruct((_MAX_LEN, _VOCAB, _BATCH), jnp.float32),
        scratch_shapes=[pltpu.VMEM((_BATCH, _IN_F), jnp.bfloat16)],
        compiler_params=pltpu.CompilerParams(
            dimension_semantics=("arbitrary",),
        ),
    )(flat2d, W, b3)


def kernel(x, embed_table, W, b):
    idx = x.T.astype(jnp.int32)
    table_pad = jnp.pad(embed_table, ((0, 0), (0, _PAD_W - _HIDDEN)))
    flat2d = _sc_gather(table_pad, idx)
    b3 = b.reshape(_MAX_LEN, 1, _VOCAB)
    out_t = _projection(flat2d, W, b3)
    return out_t.transpose(2, 0, 1)

# --- scband reference (transcript-rebuilt; emitter-appended) ---
"""Pipeline reference for scband-simple-dialog-net-72069551227150 (READ-ONLY COPY).

The authoritative reference and input builder live on the scoring server;
editing this copy changes nothing except your own understanding.
"""

import jax, jax.numpy as jnp
import numpy as np

VOCAB = 1000
MAX_LEN = 20
HIDDEN = 32
BATCH = 1024

def setup_inputs(seed: int = 0) -> dict:
    key = jax.random.key(seed)
    k1, k2, k3, k4 = jax.random.split(key, 4)
    x = jax.random.randint(k1, (BATCH, MAX_LEN), 0, VOCAB, dtype=jnp.int64 if jax.config.jax_enable_x64 else jnp.int32)
    embed_table = jax.random.normal(k2, (VOCAB, HIDDEN), dtype=jnp.float32)
    # torch nn.Linear: weight [out_features, in_features], bias [out_features]
    in_f = MAX_LEN * HIDDEN
    out_f = MAX_LEN * VOCAB
    bound = 1.0 / np.sqrt(in_f)
    W = jax.random.uniform(k3, (out_f, in_f), minval=-bound, maxval=bound, dtype=jnp.float32)
    b = jax.random.uniform(k4, (out_f,), minval=-bound, maxval=bound, dtype=jnp.float32)
    return {"x": x, "embed_table": embed_table, "W": W, "b": b}

def reference(x, embed_table, W, b):
    # emb = self.embed(x)
    emb = jnp.take(embed_table, x, axis=0)            # [B, max_len, hidden]
    # emb = emb.reshape(emb.size(0), -1)
    flat = emb.reshape(emb.shape[0], -1)              # [B, max_len*hidden]
    # out = self.fc(emb)
    out = flat @ W.T + b                              # [B, max_len*vocab]
    # out = out.view(-1, self.max_len, self.vocab_size)
    return out.reshape(-1, MAX_LEN, VOCAB)

if __name__ == "__main__":
    import jax
    _d = setup_inputs()
    print(jax.jit(kernel)(*tuple(_d.values())))

</pallas_src>

<mosaic_0001>
#map = affine_map<(d0, d1) -> (0, 0)>
module attributes {stable_mosaic.version = 14 : i64} {
  func.func @k(%arg0: i32, %arg1: i32, %arg2: memref<1000x128xf32, #tpu.memory_space<hbm>>, %arg3: memref<20x1024xi32, #tpu.memory_space<hbm>>, %arg4: memref<1024x640xf32, #tpu.memory_space<hbm>>, %arg5: memref<640xi32, #tpu.memory_space<vmem>>, %arg6: memref<640x128xf32, #tpu.memory_space<vmem>>, %arg7: memref<32x640xf32, #tpu.memory_space<vmem>>, %arg8: memref<1000x128xf32, #tpu.memory_space<vmem_shared>>, %arg9: memref<!tpu.dma_semaphore, #tpu.memory_space<semaphore_mem>>) attributes {dimension_semantics = [#tpu.dimension_semantics<core_parallel>, #tpu.dimension_semantics<subcore_parallel>], iteration_bounds = array<i64: 2, 16>, scalar_prefetch = 0 : i64, scratch_operands = 5 : i64, tpu.core_type = #tpu.core_type<sc_vector_subcore>, window_params = [{transform_indices = #map}, {transform_indices = #map}, {transform_indices = #map}]} {
    %mul3A = arith.constant 2 : i32
    %mul3A_0 = arith.muli %arg1, %mul3A : i32
    %add3A = arith.addi %mul3A_0, %arg0 : i32
    %mul3A_1 = arith.constant 32 : i32
    %mul3A_2 = arith.muli %add3A, %mul3A_1 : i32
    %eq3A = arith.constant 0 : i32
    %eq3A_3 = arith.cmpi eq, %arg1, %eq3A : i32
    %convert_element_type3A = arith.extui %eq3A_3 : i1 to i32
    %cond3A = arith.constant 0 : i32
    %cond3A_4 = arith.cmpi ne, %convert_element_type3A, %cond3A : i32
    scf.if %cond3A_4 {
      "tpu.region"() ({
        %run_scoped3A = tpu.sem_alloc : memref<!tpu.dma_semaphore, #tpu.memory_space<semaphore_mem>>
        tpu.enqueue_dma source(%arg2 : memref<1000x128xf32, #tpu.memory_space<hbm>>) target(%arg8 : memref<1000x128xf32, #tpu.memory_space<vmem_shared>>) target_semaphore(%run_scoped3A : memref<!tpu.dma_semaphore, #tpu.memory_space<semaphore_mem>>)
        tpu.wait_dma2 semaphore(%run_scoped3A : memref<!tpu.dma_semaphore, #tpu.memory_space<semaphore_mem>>) src(%arg2 : memref<1000x128xf32, #tpu.memory_space<hbm>>) dst(%arg8 : memref<1000x128xf32, #tpu.memory_space<vmem_shared>>)
        tpu.yield
      }) : () -> ()
    } else {
    }
    %dma_start3A = arith.constant 0 : i32
    %dma_start3A_5 = arith.constant 0 : i32
    %dma_start3A_6 = tpu.memref_slice %arg5[%dma_start3A_5] : memref<640xi32, #tpu.memory_space<vmem>> -> memref<32xi32, #tpu.memory_space<vmem>>
    %dma_start3A_7 = tpu.memref_slice %arg3[%dma_start3A, %mul3A_2] : memref<20x1024xi32, #tpu.memory_space<hbm>> -> memref<1x32xi32, #tpu.memory_space<hbm>>
    %dma_start3A_8 = tpu.memref_squeeze %dma_start3A_7 : memref<1x32xi32, #tpu.memory_space<hbm>> -> memref<32xi32, #tpu.memory_space<hbm>>
    %dma_start3A_9 = arith.constant 0 : i32
    %dma_start3A_10 = tpu.memref_slice %arg5[%dma_start3A_9] : memref<640xi32, #tpu.memory_space<vmem>> -> memref<32xi32, #tpu.memory_space<vmem>>
    %dma_start3A_11 = tpu.memref_slice %arg3[%dma_start3A, %mul3A_2] : memref<20x1024xi32, #tpu.memory_space<hbm>> -> memref<1x32xi32, #tpu.memory_space<hbm>>
    %dma_start3A_12 = tpu.memref_squeeze %dma_start3A_11 : memref<1x32xi32, #tpu.memory_space<hbm>> -> memref<32xi32, #tpu.memory_space<hbm>>
    tpu.enqueue_dma source(%dma_start3A_12 : memref<32xi32, #tpu.memory_space<hbm>>) target(%dma_start3A_10 : memref<32xi32, #tpu.memory_space<vmem>>) target_semaphore(%arg9 : memref<!tpu.dma_semaphore, #tpu.memory_space<semaphore_mem>>)
    %dma_start3A_13 = arith.constant 1 : i32
    %dma_start3A_14 = arith.constant 32 : i32
    %dma_start3A_15 = tpu.memref_slice %arg5[%dma_start3A_14] : memref<640xi32, #tpu.memory_space<vmem>> -> memref<32xi32, #tpu.memory_space<vmem>>
    %dma_start3A_16 = tpu.memref_slice %arg3[%dma_start3A_13, %mul3A_2] : memref<20x1024xi32, #tpu.memory_space<hbm>> -> memref<1x32xi32, #tpu.memory_space<hbm>>
    %dma_start3A_17 = tpu.memref_squeeze %dma_start3A_16 : memref<1x32xi32, #tpu.memory_space<hbm>> -> memref<32xi32, #tpu.memory_space<hbm>>
    %dma_start3A_18 = arith.constant 32 : i32
    %dma_start3A_19 = tpu.memref_slice %arg5[%dma_start3A_18] : memref<640xi32, #tpu.memory_space<vmem>> -> memref<32xi32, #tpu.memory_space<vmem>>
    %dma_start3A_20 = tpu.memref_slice %arg3[%dma_start3A_13, %mul3A_2] : memref<20x1024xi32, #tpu.memory_space<hbm>> -> memref<1x32xi32, #tpu.memory_space<hbm>>
    %dma_start3A_21 = tpu.memref_squeeze %dma_start3A_20 : memref<1x32xi32, #tpu.memory_space<hbm>> -> memref<32xi32, #tpu.memory_space<hbm>>
    tpu.enqueue_dma source(%dma_start3A_21 : memref<32xi32, #tpu.memory_space<hbm>>) target(%dma_start3A_19 : memref<32xi32, #tpu.memory_space<vmem>>) target_semaphore(%arg9 : memref<!tpu.dma_semaphore, #tpu.memory_space<semaphore_mem>>)
    %dma_start3A_22 = arith.constant 2 : i32
    %dma_start3A_23 = arith.constant 64 : i32
    %dma_start3A_24 = tpu.memref_slice %arg5[%dma_start3A_23] : memref<640xi32, #tpu.memory_space<vmem>> -> memref<32xi32, #tpu.memory_space<vmem>>
    %dma_start3A_25 = tpu.memref_slice %arg3[%dma_start3A_22, %mul3A_2] : memref<20x1024xi32, #tpu.memory_space<hbm>> -> memref<1x32xi32, #tpu.memory_space<hbm>>
    %dma_start3A_26 = tpu.memref_squeeze %dma_start3A_25 : memref<1x32xi32, #tpu.memory_space<hbm>> -> memref<32xi32, #tpu.memory_space<hbm>>
    %dma_start3A_27 = arith.constant 64 : i32
    %dma_start3A_28 = tpu.memref_slice %arg5[%dma_start3A_27] : memref<640xi32, #tpu.memory_space<vmem>> -> memref<32xi32, #tpu.memory_space<vmem>>
    %dma_start3A_29 = tpu.memref_slice %arg3[%dma_start3A_22, %mul3A_2] : memref<20x1024xi32, #tpu.memory_space<hbm>> -> memref<1x32xi32, #tpu.memory_space<hbm>>
    %dma_start3A_30 = tpu.memref_squeeze %dma_start3A_29 : memref<1x32xi32, #tpu.memory_space<hbm>> -> memref<32xi32, #tpu.memory_space<hbm>>
    tpu.enqueue_dma source(%dma_start3A_30 : memref<32xi32, #tpu.memory_space<hbm>>) target(%dma_start3A_28 : memref<32xi32, #tpu.memory_space<vmem>>) target_semaphore(%arg9 : memref<!tpu.dma_semaphore, #tpu.memory_space<semaphore_mem>>)
    %dma_start3A_31 = arith.constant 3 : i32
    %dma_start3A_32 = arith.constant 96 : i32
    %dma_start3A_33 = tpu.memref_slice %arg5[%dma_start3A_32] : memref<640xi32, #tpu.memory_space<vmem>> -> memref<32xi32, #tpu.memory_space<vmem>>
    %dma_start3A_34 = tpu.memref_slice %arg3[%dma_start3A_31, %mul3A_2] : memref<20x1024xi32, #tpu.memory_space<hbm>> -> memref<1x32xi32, #tpu.memory_space<hbm>>
    %dma_start3A_35 = tpu.memref_squeeze %dma_start3A_34 : memref<1x32xi32, #tpu.memory_space<hbm>> -> memref<32xi32, #tpu.memory_space<hbm>>
    %dma_start3A_36 = arith.constant 96 : i32
    %dma_start3A_37 = tpu.memref_slice %arg5[%dma_start3A_36] : memref<640xi32, #tpu.memory_space<vmem>> -> memref<32xi32, #tpu.memory_space<vmem>>
    %dma_start3A_38 = tpu.memref_slice %arg3[%dma_start3A_31, %mul3A_2] : memref<20x1024xi32, #tpu.memory_space<hbm>> -> memref<1x32xi32, #tpu.memory_space<hbm>>
    %dma_start3A_39 = tpu.memref_squeeze %dma_start3A_38 : memref<1x32xi32, #tpu.memory_space<hbm>> -> memref<32xi32, #tpu.memory_space<hbm>>
    tpu.enqueue_dma source(%dma_start3A_39 : memref<32xi32, #tpu.memory_space<hbm>>) target(%dma_start3A_37 : memref<32xi32, #tpu.memory_space<vmem>>) target_semaphore(%arg9 : memref<!tpu.dma_semaphore, #tpu.memory_space<semaphore_mem>>)
    %dma_start3A_40 = arith.constant 4 : i32
    %dma_start3A_41 = arith.constant 128 : i32
    %dma_start3A_42 = tpu.memref_slice %arg5[%dma_start3A_41] : memref<640xi32, #tpu.memory_space<vmem>> -> memref<32xi32, #tpu.memory_space<vmem>>
    %dma_start3A_43 = tpu.memref_slice %arg3[%dma_start3A_40, %mul3A_2] : memref<20x1024xi32, #tpu.memory_space<hbm>> -> memref<1x32xi32, #tpu.memory_space<hbm>>
    %dma_start3A_44 = tpu.memref_squeeze %dma_start3A_43 : memref<1x32xi32, #tpu.memory_space<hbm>> -> memref<32xi32, #tpu.memory_space<hbm>>
    %dma_start3A_45 = arith.constant 128 : i32
    %dma_start3A_46 = tpu.memref_slice %arg5[%dma_start3A_45] : memref<640xi32, #tpu.memory_space<vmem>> -> memref<32xi32, #tpu.memory_space<vmem>>
    %dma_start3A_47 = tpu.memref_slice %arg3[%dma_start3A_40, %mul3A_2] : memref<20x1024xi32, #tpu.memory_space<hbm>> -> memref<1x32xi32, #tpu.memory_space<hbm>>
    %dma_start3A_48 = tpu.memref_squeeze %dma_start3A_47 : memref<1x32xi32, #tpu.memory_space<hbm>> -> memref<32xi32, #tpu.memory_space<hbm>>
    tpu.enqueue_dma source(%dma_start3A_48 : memref<32xi32, #tpu.memory_space<hbm>>) target(%dma_start3A_46 : memref<32xi32, #tpu.memory_space<vmem>>) target_semaphore(%arg9 : memref<!tpu.dma_semaphore, #tpu.memory_space<semaphore_mem>>)
    %dma_start3A_49 = arith.constant 5 : i32
    %dma_start3A_50 = arith.constant 160 : i32
    %dma_start3A_51 = tpu.memref_slice %arg5[%dma_start3A_50] : memref<640xi32, #tpu.memory_space<vmem>> -> memref<32xi32, #tpu.memory_space<vmem>>
    %dma_start3A_52 = tpu.memref_slice %arg3[%dma_start3A_49, %mul3A_2] : memref<20x1024xi32, #tpu.memory_space<hbm>> -> memref<1x32xi32, #tpu.memory_space<hbm>>
    %dma_start3A_53 = tpu.memref_squeeze %dma_start3A_52 : memref<1x32xi32, #tpu.memory_space<hbm>> -> memref<32xi32, #tpu.memory_space<hbm>>
    %dma_start3A_54 = arith.constant 160 : i32
    %dma_start3A_55 = tpu.memref_slice %arg5[%dma_start3A_54] : memref<640xi32, #tpu.memory_space<vmem>> -> memref<32xi32, #tpu.memory_space<vmem>>
    %dma_start3A_56 = tpu.memref_slice %arg3[%dma_start3A_49, %mul3A_2] : memref<20x1024xi32, #tpu.memory_space<hbm>> -> memref<1x32xi32, #tpu.memory_space<hbm>>
    %dma_start3A_57 = tpu.memref_squeeze %dma_start3A_56 : memref<1x32xi32, #tpu.memory_space<hbm>> -> memref<32xi32, #tpu.memory_space<hbm>>
    tpu.enqueue_dma source(%dma_start3A_57 : memref<32xi32, #tpu.memory_space<hbm>>) target(%dma_start3A_55 : memref<32xi32, #tpu.memory_space<vmem>>) target_semaphore(%arg9 : memref<!tpu.dma_semaphore, #tpu.memory_space<semaphore_mem>>)
    %dma_start3A_58 = arith.constant 6 : i32
    %dma_start3A_59 = arith.constant 192 : i32
    %dma_start3A_60 = tpu.memref_slice %arg5[%dma_start3A_59] : memref<640xi32, #tpu.memory_space<vmem>> -> memref<32xi32, #tpu.memory_space<vmem>>
    %dma_start3A_61 = tpu.memref_slice %arg3[%dma_start3A_58, %mul3A_2] : memref<20x1024xi32, #tpu.memory_space<hbm>> -> memref<1x32xi32, #tpu.memory_space<hbm>>
    %dma_start3A_62 = tpu.memref_squeeze %dma_start3A_61 : memref<1x32xi32, #tpu.memory_space<hbm>> -> memref<32xi32, #tpu.memory_space<hbm>>
    %dma_start3A_63 = arith.constant 192 : i32
    %dma_start3A_64 = tpu.memref_slice %arg5[%dma_start3A_63] : memref<640xi32, #tpu.memory_space<vmem>> -> memref<32xi32, #tpu.memory_space<vmem>>
    %dma_start3A_65 = tpu.memref_slice %arg3[%dma_start3A_58, %mul3A_2] : memref<20x1024xi32, #tpu.memory_space<hbm>> -> memref<1x32xi32, #tpu.memory_space<hbm>>
    %dma_start3A_66 = tpu.memref_squeeze %dma_start3A_65 : memref<1x32xi32, #tpu.memory_space<hbm>> -> memref<32xi32, #tpu.memory_space<hbm>>
    tpu.enqueue_dma source(%dma_start3A_66 : memref<32xi32, #tpu.memory_space<hbm>>) target(%dma_start3A_64 : memref<32xi32, #tpu.memory_space<vmem>>) target_semaphore(%arg9 : memref<!tpu.dma_semaphore, #tpu.memory_space<semaphore_mem>>)
    %dma_start3A_67 = arith.constant 7 : i32
    %dma_start3A_68 = arith.constant 224 : i32
    %dma_start3A_69 = tpu.memref_slice %arg5[%dma_start3A_68] : memref<640xi32, #tpu.memory_space<vmem>> -> memref<32xi32, #tpu.memory_space<vmem>>
    %dma_start3A_70 = tpu.memref_slice %arg3[%dma_start3A_67, %mul3A_2] : memref<20x1024xi32, #tpu.memory_space<hbm>> -> memref<1x32xi32, #tpu.memory_space<hbm>>
    %dma_start3A_71 = tpu.memref_squeeze %dma_start3A_70 : memref<1x32xi32, #tpu.memory_space<hbm>> -> memref<32xi32, #tpu.memory_space<hbm>>
    %dma_start3A_72 = arith.constant 224 : i32
    %dma_start3A_73 = tpu.memref_slice %arg5[%dma_start3A_72] : memref<640xi32, #tpu.memory_space<vmem>> -> memref<32xi32, #tpu.memory_space<vmem>>
    %dma_start3A_74 = tpu.memref_slice %arg3[%dma_start3A_67, %mul3A_2] : memref<20x1024xi32, #tpu.memory_space<hbm>> -> memref<1x32xi32, #tpu.memory_space<hbm>>
    %dma_start3A_75 = tpu.memref_squeeze %dma_start3A_74 : memref<1x32xi32, #tpu.memory_space<hbm>> -> memref<32xi32, #tpu.memory_space<hbm>>
    tpu.enqueue_dma source(%dma_start3A_75 : memref<32xi32, #tpu.memory_space<hbm>>) target(%dma_start3A_73 : memref<32xi32, #tpu.memory_space<vmem>>) target_semaphore(%arg9 : memref<!tpu.dma_semaphore, #tpu.memory_space<semaphore_mem>>)
    %dma_start3A_76 = arith.constant 8 : i32
    %dma_start3A_77 = arith.constant 256 : i32
    %dma_start3A_78 = tpu.memref_slice %arg5[%dma_start3A_77] : memref<640xi32, #tpu.memory_space<vmem>> -> memref<32xi32, #tpu.memory_space<vmem>>
    %dma_start3A_79 = tpu.memref_slice %arg3[%dma_start3A_76, %mul3A_2] : memref<20x1024xi32, #tpu.memory_space<hbm>> -> memref<1x32xi32, #tpu.memory_space<hbm>>
    %dma_start3A_80 = tpu.memref_squeeze %dma_start3A_79 : memref<1x32xi32, #tpu.memory_space<hbm>> -> memref<32xi32, #tpu.memory_space<hbm>>
    %dma_start3A_81 = arith.constant 256 : i32
    %dma_start3A_82 = tpu.memref_slice %arg5[%dma_start3A_81] : memref<640xi32, #tpu.memory_space<vmem>> -> memref<32xi32, #tpu.memory_space<vmem>>
    %dma_start3A_83 = tpu.memref_slice %arg3[%dma_start3A_76, %mul3A_2] : memref<20x1024xi32, #tpu.memory_space<hbm>> -> memref<1x32xi32, #tpu.memory_space<hbm>>
    %dma_start3A_84 = tpu.memref_squeeze %dma_start3A_83 : memref<1x32xi32, #tpu.memory_space<hbm>> -> memref<32xi32, #tpu.memory_space<hbm>>
    tpu.enqueue_dma source(%dma_start3A_84 : memref<32xi32, #tpu.memory_space<hbm>>) target(%dma_start3A_82 : memref<32xi32, #tpu.memory_space<vmem>>) target_semaphore(%arg9 : memref<!tpu.dma_semaphore, #tpu.memory_space<semaphore_mem>>)
    %dma_start3A_85 = arith.constant 9 : i32
    %dma_start3A_86 = arith.constant 288 : i32
    %dma_start3A_87 = tpu.memref_slice %arg5[%dma_start3A_86] : memref<640xi32, #tpu.memory_space<vmem>> -> memref<32xi32, #tpu.memory_space<vmem>>
    %dma_start3A_88 = tpu.memref_slice %arg3[%dma_start3A_85, %mul3A_2] : memref<20x1024xi32, #tpu.memory_space<hbm>> -> memref<1x32xi32, #tpu.memory_space<hbm>>
    %dma_start3A_89 = tpu.memref_squeeze %dma_start3A_88 : memref<1x32xi32, #tpu.memory_space<hbm>> -> memref<32xi32, #tpu.memory_space<hbm>>
    %dma_start3A_90 = arith.constant 288 : i32
    %dma_start3A_91 = tpu.memref_slice %arg5[%dma_start3A_90] : memref<640xi32, #tpu.memory_space<vmem>> -> memref<32xi32, #tpu.memory_space<vmem>>
    %dma_start3A_92 = tpu.memref_slice %arg3[%dma_start3A_85, %mul3A_2] : memref<20x1024xi32, #tpu.memory_space<hbm>> -> memref<1x32xi32, #tpu.memory_space<hbm>>
    %dma_start3A_93 = tpu.memref_squeeze %dma_start3A_92 : memref<1x32xi32, #tpu.memory_space<hbm>> -> memref<32xi32, #tpu.memory_space<hbm>>
    tpu.enqueue_dma source(%dma_start3A_93 : memref<32xi32, #tpu.memory_space<hbm>>) target(%dma_start3A_91 : memref<32xi32, #tpu.memory_space<vmem>>) target_semaphore(%arg9 : memref<!tpu.dma_semaphore, #tpu.memory_space<semaphore_mem>>)
    %dma_start3A_94 = arith.constant 10 : i32
    %dma_start3A_95 = arith.constant 320 : i32
    %dma_start3A_96 = tpu.memref_slice %arg5[%dma_start3A_95] : memref<640xi32, #tpu.memory_space<vmem>> -> memref<32xi32, #tpu.memory_space<vmem>>
    %dma_start3A_97 = tpu.memref_slice %arg3[%dma_start3A_94, %mul3A_2] : memref<20x1024xi32, #tpu.memory_space<hbm>> -> memref<1x32xi32, #tpu.memory_space<hbm>>
    %dma_start3A_98 = tpu.memref_squeeze %dma_start3A_97 : memref<1x32xi32, #tpu.memory_space<hbm>> -> memref<32xi32, #tpu.memory_space<hbm>>
    %dma_start3A_99 = arith.constant 320 : i32
    %dma_start3A_100 = tpu.memref_slice %arg5[%dma_start3A_99] : memref<640xi32, #tpu.memory_space<vmem>> -> memref<32xi32, #tpu.memory_space<vmem>>
    %dma_start3A_101 = tpu.memref_slice %arg3[%dma_start3A_94, %mul3A_2] : memref<20x1024xi32, #tpu.memory_space<hbm>> -> memref<1x32xi32, #tpu.memory_space<hbm>>
    %dma_start3A_102 = tpu.memref_squeeze %dma_start3A_101 : memref<1x32xi32, #tpu.memory_space<hbm>> -> memref<32xi32, #tpu.memory_space<hbm>>
    tpu.enqueue_dma source(%dma_start3A_102 : memref<32xi32, #tpu.memory_space<hbm>>) target(%dma_start3A_100 : memref<32xi32, #tpu.memory_space<vmem>>) target_semaphore(%arg9 : memref<!tpu.dma_semaphore, #tpu.memory_space<semaphore_mem>>)
    %dma_start3A_103 = arith.constant 11 : i32
    %dma_start3A_104 = arith.constant 352 : i32
    %dma_start3A_105 = tpu.memref_slice %arg5[%dma_start3A_104] : memref<640xi32, #tpu.memory_space<vmem>> -> memref<32xi32, #tpu.memory_space<vmem>>
    %dma_start3A_106 = tpu.memref_slice %arg3[%dma_start3A_103, %mul3A_2] : memref<20x1024xi32, #tpu.memory_space<hbm>> -> memref<1x32xi32, #tpu.memory_space<hbm>>
    %dma_start3A_107 = tpu.memref_squeeze %dma_start3A_106 : memref<1x32xi32, #tpu.memory_space<hbm>> -> memref<32xi32, #tpu.memory_space<hbm>>
    %dma_start3A_108 = arith.constant 352 : i32
    %dma_start3A_109 = tpu.memref_slice %arg5[%dma_start3A_108] : memref<640xi32, #tpu.memory_space<vmem>> -> memref<32xi32, #tpu.memory_space<vmem>>
    %dma_start3A_110 = tpu.memref_slice %arg3[%dma_start3A_103, %mul3A_2] : memref<20x1024xi32, #tpu.memory_space<hbm>> -> memref<1x32xi32, #tpu.memory_space<hbm>>
    %dma_start3A_111 = tpu.memref_squeeze %dma_start3A_110 : memref<1x32xi32, #tpu.memory_space<hbm>> -> memref<32xi32, #tpu.memory_space<hbm>>
    tpu.enqueue_dma source(%dma_start3A_111 : memref<32xi32, #tpu.memory_space<hbm>>) target(%dma_start3A_109 : memref<32xi32, #tpu.memory_space<vmem>>) target_semaphore(%arg9 : memref<!tpu.dma_semaphore, #tpu.memory_space<semaphore_mem>>)
    %dma_start3A_112 = arith.constant 12 : i32
    %dma_start3A_113 = arith.constant 384 : i32
    %dma_start3A_114 = tpu.memref_slice %arg5[%dma_start3A_113] : memref<640xi32, #tpu.memory_space<vmem>> -> memref<32xi32, #tpu.memory_space<vmem>>
    %dma_start3A_115 = tpu.memref_slice %arg3[%dma_start3A_112, %mul3A_2] : memref<20x1024xi32, #tpu.memory_space<hbm>> -> memref<1x32xi32, #tpu.memory_space<hbm>>
    %dma_start3A_116 = tpu.memref_squeeze %dma_start3A_115 : memref<1x32xi32, #tpu.memory_space<hbm>> -> memref<32xi32, #tpu.memory_space<hbm>>
    %dma_start3A_117 = arith.constant 384 : i32
    %dma_start3A_118 = tpu.memref_slice %arg5[%dma_start3A_117] : memref<640xi32, #tpu.memory_space<vmem>> -> memref<32xi32, #tpu.memory_space<vmem>>
    %dma_start3A_119 = tpu.memref_slice %arg3[%dma_start3A_112, %mul3A_2] : memref<20x1024xi32, #tpu.memory_space<hbm>> -> memref<1x32xi32, #tpu.memory_space<hbm>>
    %dma_start3A_120 = tpu.memref_squeeze %dma_start3A_119 : memref<1x32xi32, #tpu.memory_space<hbm>> -> memref<32xi32, #tpu.memory_space<hbm>>
    tpu.enqueue_dma source(%dma_start3A_120 : memref<32xi32, #tpu.memory_space<hbm>>) target(%dma_start3A_118 : memref<32xi32, #tpu.memory_space<vmem>>) target_semaphore(%arg9 : memref<!tpu.dma_semaphore, #tpu.memory_space<semaphore_mem>>)
    %dma_start3A_121 = arith.constant 13 : i32
    %dma_start3A_122 = arith.constant 416 : i32
    %dma_start3A_123 = tpu.memref_slice %arg5[%dma_start3A_122] : memref<640xi32, #tpu.memory_space<vmem>> -> memref<32xi32, #tpu.memory_space<vmem>>
    %dma_start3A_124 = tpu.memref_slice %arg3[%dma_start3A_121, %mul3A_2] : memref<20x1024xi32, #tpu.memory_space<hbm>> -> memref<1x32xi32, #tpu.memory_space<hbm>>
    %dma_start3A_125 = tpu.memref_squeeze %dma_start3A_124 : memref<1x32xi32, #tpu.memory_space<hbm>> -> memref<32xi32, #tpu.memory_space<hbm>>
    %dma_start3A_126 = arith.constant 416 : i32
    %dma_start3A_127 = tpu.memref_slice %arg5[%dma_start3A_126] : memref<640xi32, #tpu.memory_space<vmem>> -> memref<32xi32, #tpu.memory_space<vmem>>
    %dma_start3A_128 = tpu.memref_slice %arg3[%dma_start3A_121, %mul3A_2] : memref<20x1024xi32, #tpu.memory_space<hbm>> -> memref<1x32xi32, #tpu.memory_space<hbm>>
    %dma_start3A_129 = tpu.memref_squeeze %dma_start3A_128 : memref<1x32xi32, #tpu.memory_space<hbm>> -> memref<32xi32, #tpu.memory_space<hbm>>
    tpu.enqueue_dma source(%dma_start3A_129 : memref<32xi32, #tpu.memory_space<hbm>>) target(%dma_start3A_127 : memref<32xi32, #tpu.memory_space<vmem>>) target_semaphore(%arg9 : memref<!tpu.dma_semaphore, #tpu.memory_space<semaphore_mem>>)
    %dma_start3A_130 = arith.constant 14 : i32
    %dma_start3A_131 = arith.constant 448 : i32
    %dma_start3A_132 = tpu.memref_slice %arg5[%dma_start3A_131] : memref<640xi32, #tpu.memory_space<vmem>> -> memref<32xi32, #tpu.memory_space<vmem>>
    %dma_start3A_133 = tpu.memref_slice %arg3[%dma_start3A_130, %mul3A_2] : memref<20x1024xi32, #tpu.memory_space<hbm>> -> memref<1x32xi32, #tpu.memory_space<hbm>>
    %dma_start3A_134 = tpu.memref_squeeze %dma_start3A_133 : memref<1x32xi32, #tpu.memory_space<hbm>> -> memref<32xi32, #tpu.memory_space<hbm>>
    %dma_start3A_135 = arith.constant 448 : i32
    %dma_start3A_136 = tpu.memref_slice %arg5[%dma_start3A_135] : memref<640xi32, #tpu.memory_space<vmem>> -> memref<32xi32, #tpu.memory_space<vmem>>
    %dma_start3A_137 = tpu.memref_slice %arg3[%dma_start3A_130, %mul3A_2] : memref<20x1024xi32, #tpu.memory_space<hbm>> -> memref<1x32xi32, #tpu.memory_space<hbm>>
    %dma_start3A_138 = tpu.memref_squeeze %dma_start3A_137 : memref<1x32xi32, #tpu.memory_space<hbm>> -> memref<32xi32, #tpu.memory_space<hbm>>
    tpu.enqueue_dma source(%dma_start3A_138 : memref<32xi32, #tpu.memory_space<hbm>>) target(%dma_start3A_136 : memref<32xi32, #tpu.memory_space<vmem>>) target_semaphore(%arg9 : memref<!tpu.dma_semaphore, #tpu.memory_space<semaphore_mem>>)
    %dma_start3A_139 = arith.constant 15 : i32
    %dma_start3A_140 = arith.constant 480 : i32
    %dma_start3A_141 = tpu.memref_slice %arg5[%dma_start3A_140] : memref<640xi32, #tpu.memory_space<vmem>> -> memref<32xi32, #tpu.memory_space<vmem>>
    %dma_start3A_142 = tpu.memref_slice %arg3[%dma_start3A_139, %mul3A_2] : memref<20x1024xi32, #tpu.memory_space<hbm>> -> memref<1x32xi32, #tpu.memory_space<hbm>>
    %dma_start3A_143 = tpu.memref_squeeze %dma_start3A_142 : memref<1x32xi32, #tpu.memory_space<hbm>> -> memref<32xi32, #tpu.memory_space<hbm>>
    %dma_start3A_144 = arith.constant 480 : i32
    %dma_start3A_145 = tpu.memref_slice %arg5[%dma_start3A_144] : memref<640xi32, #tpu.memory_space<vmem>> -> memref<32xi32, #tpu.memory_space<vmem>>
    %dma_start3A_146 = tpu.memref_slice %arg3[%dma_start3A_139, %mul3A_2] : memref<20x1024xi32, #tpu.memory_space<hbm>> -> memref<1x32xi32, #tpu.memory_space<hbm>>
    %dma_start3A_147 = tpu.memref_squeeze %dma_start3A_146 : memref<1x32xi32, #tpu.memory_space<hbm>> -> memref<32xi32, #tpu.memory_space<hbm>>
    tpu.enqueue_dma source(%dma_start3A_147 : memref<32xi32, #tpu.memory_space<hbm>>) target(%dma_start3A_145 : memref<32xi32, #tpu.memory_space<vmem>>) target_semaphore(%arg9 : memref<!tpu.dma_semaphore, #tpu.memory_space<semaphore_mem>>)
    %dma_start3A_148 = arith.constant 16 : i32
    %dma_start3A_149 = arith.constant 512 : i32
    %dma_start3A_150 = tpu.memref_slice %arg5[%dma_start3A_149] : memref<640xi32, #tpu.memory_space<vmem>> -> memref<32xi32, #tpu.memory_space<vmem>>
    %dma_start3A_151 = tpu.memref_slice %arg3[%dma_start3A_148, %mul3A_2] : memref<20x1024xi32, #tpu.memory_space<hbm>> -> memref<1x32xi32, #tpu.memory_space<hbm>>
    %dma_start3A_152 = tpu.memref_squeeze %dma_start3A_151 : memref<1x32xi32, #tpu.memory_space<hbm>> -> memref<32xi32, #tpu.memory_space<hbm>>
    %dma_start3A_153 = arith.constant 512 : i32
    %dma_start3A_154 = tpu.memref_slice %arg5[%dma_start3A_153] : memref<640xi32, #tpu.memory_space<vmem>> -> memref<32xi32, #tpu.memory_space<vmem>>
    %dma_start3A_155 = tpu.memref_slice %arg3[%dma_start3A_148, %mul3A_2] : memref<20x1024xi32, #tpu.memory_space<hbm>> -> memref<1x32xi32, #tpu.memory_space<hbm>>
    %dma_start3A_156 = tpu.memref_squeeze %dma_start3A_155 : memref<1x32xi32, #tpu.memory_space<hbm>> -> memref<32xi32, #tpu.memory_space<hbm>>
    tpu.enqueue_dma source(%dma_start3A_156 : memref<32xi32, #tpu.memory_space<hbm>>) target(%dma_start3A_154 : memref<32xi32, #tpu.memory_space<vmem>>) target_semaphore(%arg9 : memref<!tpu.dma_semaphore, #tpu.memory_space<semaphore_mem>>)
    %dma_start3A_157 = arith.constant 17 : i32
    %dma_start3A_158 = arith.constant 544 : i32
    %dma_start3A_159 = tpu.memref_slice %arg5[%dma_start3A_158] : memref<640xi32, #tpu.memory_space<vmem>> -> memref<32xi32, #tpu.memory_space<vmem>>
    %dma_start3A_160 = tpu.memref_slice %arg3[%dma_start3A_157, %mul3A_2] : memref<20x1024xi32, #tpu.memory_space<hbm>> -> memref<1x32xi32, #tpu.memory_space<hbm>>
    %dma_start3A_161 = tpu.memref_squeeze %dma_start3A_160 : memref<1x32xi32, #tpu.memory_space<hbm>> -> memref<32xi32, #tpu.memory_space<hbm>>
    %dma_start3A_162 = arith.constant 544 : i32
    %dma_start3A_163 = tpu.memref_slice %arg5[%dma_start3A_162] : memref<640xi32, #tpu.memory_space<vmem>> -> memref<32xi32, #tpu.memory_space<vmem>>
    %dma_start3A_164 = tpu.memref_slice %arg3[%dma_start3A_157, %mul3A_2] : memref<20x1024xi32, #tpu.memory_space<hbm>> -> memref<1x32xi32, #tpu.memory_space<hbm>>
    %dma_start3A_165 = tpu.memref_squeeze %dma_start3A_164 : memref<1x32xi32, #tpu.memory_space<hbm>> -> memref<32xi32, #tpu.memory_space<hbm>>
    tpu.enqueue_dma source(%dma_start3A_165 : memref<32xi32, #tpu.memory_space<hbm>>) target(%dma_start3A_163 : memref<32xi32, #tpu.memory_space<vmem>>) target_semaphore(%arg9 : memref<!tpu.dma_semaphore, #tpu.memory_space<semaphore_mem>>)
    %dma_start3A_166 = arith.constant 18 : i32
    %dma_start3A_167 = arith.constant 576 : i32
    %dma_start3A_168 = tpu.memref_slice %arg5[%dma_start3A_167] : memref<640xi32, #tpu.memory_space<vmem>> -> memref<32xi32, #tpu.memory_space<vmem>>
    %dma_start3A_169 = tpu.memref_slice %arg3[%dma_start3A_166, %mul3A_2] : memref<20x1024xi32, #tpu.memory_space<hbm>> -> memref<1x32xi32, #tpu.memory_space<hbm>>
    %dma_start3A_170 = tpu.memref_squeeze %dma_start3A_169 : memref<1x32xi32, #tpu.memory_space<hbm>> -> memref<32xi32, #tpu.memory_space<hbm>>
    %dma_start3A_171 = arith.constant 576 : i32
    %dma_start3A_172 = tpu.memref_slice %arg5[%dma_start3A_171] : memref<640xi32, #tpu.memory_space<vmem>> -> memref<32xi32, #tpu.memory_space<vmem>>
    %dma_start3A_173 = tpu.memref_slice %arg3[%dma_start3A_166, %mul3A_2] : memref<20x1024xi32, #tpu.memory_space<hbm>> -> memref<1x32xi32, #tpu.memory_space<hbm>>
    %dma_start3A_174 = tpu.memref_squeeze %dma_start3A_173 : memref<1x32xi32, #tpu.memory_space<hbm>> -> memref<32xi32, #tpu.memory_space<hbm>>
    tpu.enqueue_dma source(%dma_start3A_174 : memref<32xi32, #tpu.memory_space<hbm>>) target(%dma_start3A_172 : memref<32xi32, #tpu.memory_space<vmem>>) target_semaphore(%arg9 : memref<!tpu.dma_semaphore, #tpu.memory_space<semaphore_mem>>)
    %dma_start3A_175 = arith.constant 19 : i32
    %dma_start3A_176 = arith.constant 608 : i32
    %dma_start3A_177 = tpu.memref_slice %arg5[%dma_start3A_176] : memref<640xi32, #tpu.memory_space<vmem>> -> memref<32xi32, #tpu.memory_space<vmem>>
    %dma_start3A_178 = tpu.memref_slice %arg3[%dma_start3A_175, %mul3A_2] : memref<20x1024xi32, #tpu.memory_space<hbm>> -> memref<1x32xi32, #tpu.memory_space<hbm>>
    %dma_start3A_179 = tpu.memref_squeeze %dma_start3A_178 : memref<1x32xi32, #tpu.memory_space<hbm>> -> memref<32xi32, #tpu.memory_space<hbm>>
    %dma_start3A_180 = arith.constant 608 : i32
    %dma_start3A_181 = tpu.memref_slice %arg5[%dma_start3A_180] : memref<640xi32, #tpu.memory_space<vmem>> -> memref<32xi32, #tpu.memory_space<vmem>>
    %dma_start3A_182 = tpu.memref_slice %arg3[%dma_start3A_175, %mul3A_2] : memref<20x1024xi32, #tpu.memory_space<hbm>> -> memref<1x32xi32, #tpu.memory_space<hbm>>
    %dma_start3A_183 = tpu.memref_squeeze %dma_start3A_182 : memref<1x32xi32, #tpu.memory_space<hbm>> -> memref<32xi32, #tpu.memory_space<hbm>>
    tpu.enqueue_dma source(%dma_start3A_183 : memref<32xi32, #tpu.memory_space<hbm>>) target(%dma_start3A_181 : memref<32xi32, #tpu.memory_space<vmem>>) target_semaphore(%arg9 : memref<!tpu.dma_semaphore, #tpu.memory_space<semaphore_mem>>)
    %dma_wait3A = arith.constant 0 : i32
    %dma_wait3A_184 = arith.constant 0 : i32
    %dma_wait3A_185 = tpu.memref_slice %arg5[%dma_wait3A_184] : memref<640xi32, #tpu.memory_space<vmem>> -> memref<32xi32, #tpu.memory_space<vmem>>
    %dma_wait3A_186 = tpu.memref_slice %arg3[%dma_wait3A, %mul3A_2] : memref<20x1024xi32, #tpu.memory_space<hbm>> -> memref<1x32xi32, #tpu.memory_space<hbm>>
    %dma_wait3A_187 = tpu.memref_squeeze %dma_wait3A_186 : memref<1x32xi32, #tpu.memory_space<hbm>> -> memref<32xi32, #tpu.memory_space<hbm>>
    %dma_wait3A_188 = arith.constant 0 : i32
    %dma_wait3A_189 = tpu.memref_slice %arg5[%dma_wait3A_188] : memref<640xi32, #tpu.memory_space<vmem>> -> memref<32xi32, #tpu.memory_space<vmem>>
    %dma_wait3A_190 = tpu.memref_slice %arg3[%dma_wait3A, %mul3A_2] : memref<20x1024xi32, #tpu.memory_space<hbm>> -> memref<1x32xi32, #tpu.memory_space<hbm>>
    %dma_wait3A_191 = tpu.memref_squeeze %dma_wait3A_190 : memref<1x32xi32, #tpu.memory_space<hbm>> -> memref<32xi32, #tpu.memory_space<hbm>>
    tpu.wait_dma2 semaphore(%arg9 : memref<!tpu.dma_semaphore, #tpu.memory_space<semaphore_mem>>) src(%dma_wait3A_191 : memref<32xi32, #tpu.memory_space<hbm>>) dst(%dma_wait3A_189 : memref<32xi32, #tpu.memory_space<vmem>>)
    %dma_wait3A_192 = arith.constant 1 : i32
    %dma_wait3A_193 = arith.constant 32 : i32
    %dma_wait3A_194 = tpu.memref_slice %arg5[%dma_wait3A_193] : memref<640xi32, #tpu.memory_space<vmem>> -> memref<32xi32, #tpu.memory_space<vmem>>
    %dma_wait3A_195 = tpu.memref_slice %arg3[%dma_wait3A_192, %mul3A_2] : memref<20x1024xi32, #tpu.memory_space<hbm>> -> memref<1x32xi32, #tpu.memory_space<hbm>>
    %dma_wait3A_196 = tpu.memref_squeeze %dma_wait3A_195 : memref<1x32xi32, #tpu.memory_space<hbm>> -> memref<32xi32, #tpu.memory_space<hbm>>
    %dma_wait3A_197 = arith.constant 32 : i32
    %dma_wait3A_198 = tpu.memref_slice %arg5[%dma_wait3A_197] : memref<640xi32, #tpu.memory_space<vmem>> -> memref<32xi32, #tpu.memory_space<vmem>>
    %dma_wait3A_199 = tpu.memref_slice %arg3[%dma_wait3A_192, %mul3A_2] : memref<20x1024xi32, #tpu.memory_space<hbm>> -> memref<1x32xi32, #tpu.memory_space<hbm>>
    %dma_wait3A_200 = tpu.memref_squeeze %dma_wait3A_199 : memref<1x32xi32, #tpu.memory_space<hbm>> -> memref<32xi32, #tpu.memory_space<hbm>>
    tpu.wait_dma2 semaphore(%arg9 : memref<!tpu.dma_semaphore, #tpu.memory_space<semaphore_mem>>) src(%dma_wait3A_200 : memref<32xi32, #tpu.memory_space<hbm>>) dst(%dma_wait3A_198 : memref<32xi32, #tpu.memory_space<vmem>>)
    %dma_wait3A_201 = arith.constant 2 : i32
    %dma_wait3A_202 = arith.constant 64 : i32
    %dma_wait3A_203 = tpu.memref_slice %arg5[%dma_wait3A_202] : memref<640xi32, #tpu.memory_space<vmem>> -> memref<32xi32, #tpu.memory_space<vmem>>
    %dma_wait3A_204 = tpu.memref_slice %arg3[%dma_wait3A_201, %mul3A_2] : memref<20x1024xi32, #tpu.memory_space<hbm>> -> memref<1x32xi32, #tpu.memory_space<hbm>>
    %dma_wait3A_205 = tpu.memref_squeeze %dma_wait3A_204 : memref<1x32xi32, #tpu.memory_space<hbm>> -> memref<32xi32, #tpu.memory_space<hbm>>
    %dma_wait3A_206 = arith.constant 64 : i32
    %dma_wait3A_207 = tpu.memref_slice %arg5[%dma_wait3A_206] : memref<640xi32, #tpu.memory_space<vmem>> -> memref<32xi32, #tpu.memory_space<vmem>>
    %dma_wait3A_208 = tpu.memref_slice %arg3[%dma_wait3A_201, %mul3A_2] : memref<20x1024xi32, #tpu.memory_space<hbm>> -> memref<1x32xi32, #tpu.memory_space<hbm>>
    %dma_wait3A_209 = tpu.memref_squeeze %dma_wait3A_208 : memref<1x32xi32, #tpu.memory_space<hbm>> -> memref<32xi32, #tpu.memory_space<hbm>>
    tpu.wait_dma2 semaphore(%arg9 : memref<!tpu.dma_semaphore, #tpu.memory_space<semaphore_mem>>) src(%dma_wait3A_209 : memref<32xi32, #tpu.memory_space<hbm>>) dst(%dma_wait3A_207 : memref<32xi32, #tpu.memory_space<vmem>>)
    %dma_wait3A_210 = arith.constant 3 : i32
    %dma_wait3A_211 = arith.constant 96 : i32
    %dma_wait3A_212 = tpu.memref_slice %arg5[%dma_wait3A_211] : memref<640xi32, #tpu.memory_space<vmem>> -> memref<32xi32, #tpu.memory_space<vmem>>
    %dma_wait3A_213 = tpu.memref_slice %arg3[%dma_wait3A_210, %mul3A_2] : memref<20x1024xi32, #tpu.memory_space<hbm>> -> memref<1x32xi32, #tpu.memory_space<hbm>>
    %dma_wait3A_214 = tpu.memref_squeeze %dma_wait3A_213 : memref<1x32xi32, #tpu.memory_space<hbm>> -> memref<32xi32, #tpu.memory_space<hbm>>
    %dma_wait3A_215 = arith.constant 96 : i32
    %dma_wait3A_216 = tpu.memref_slice %arg5[%dma_wait3A_215] : memref<640xi32, #tpu.memory_space<vmem>> -> memref<32xi32, #tpu.memory_space<vmem>>
    %dma_wait3A_217 = tpu.memref_slice %arg3[%dma_wait3A_210, %mul3A_2] : memref<20x1024xi32, #tpu.memory_space<hbm>> -> memref<1x32xi32, #tpu.memory_space<hbm>>
    %dma_wait3A_218 = tpu.memref_squeeze %dma_wait3A_217 : memref<1x32xi32, #tpu.memory_space<hbm>> -> memref<32xi32, #tpu.memory_space<hbm>>
    tpu.wait_dma2 semaphore(%arg9 : memref<!tpu.dma_semaphore, #tpu.memory_space<semaphore_mem>>) src(%dma_wait3A_218 : memref<32xi32, #tpu.memory_space<hbm>>) dst(%dma_wait3A_216 : memref<32xi32, #tpu.memory_space<vmem>>)
    %dma_wait3A_219 = arith.constant 4 : i32
    %dma_wait3A_220 = arith.constant 128 : i32
    %dma_wait3A_221 = tpu.memref_slice %arg5[%dma_wait3A_220] : memref<640xi32, #tpu.memory_space<vmem>> -> memref<32xi32, #tpu.memory_space<vmem>>
    %dma_wait3A_222 = tpu.memref_slice %arg3[%dma_wait3A_219, %mul3A_2] : memref<20x1024xi32, #tpu.memory_space<hbm>> -> memref<1x32xi32, #tpu.memory_space<hbm>>
    %dma_wait3A_223 = tpu.memref_squeeze %dma_wait3A_222 : memref<1x32xi32, #tpu.memory_space<hbm>> -> memref<32xi32, #tpu.memory_space<hbm>>
    %dma_wait3A_224 = arith.constant 128 : i32
    %dma_wait3A_225 = tpu.memref_slice %arg5[%dma_wait3A_224] : memref<640xi32, #tpu.memory_space<vmem>> -> memref<32xi32, #tpu.memory_space<vmem>>
    %dma_wait3A_226 = tpu.memref_slice %arg3[%dma_wait3A_219, %mul3A_2] : memref<20x1024xi32, #tpu.memory_space<hbm>> -> memref<1x32xi32, #tpu.memory_space<hbm>>
    %dma_wait3A_227 = tpu.memref_squeeze %dma_wait3A_226 : memref<1x32xi32, #tpu.memory_space<hbm>> -> memref<32xi32, #tpu.memory_space<hbm>>
    tpu.wait_dma2 semaphore(%arg9 : memref<!tpu.dma_semaphore, #tpu.memory_space<semaphore_mem>>) src(%dma_wait3A_227 : memref<32xi32, #tpu.memory_space<hbm>>) dst(%dma_wait3A_225 : memref<32xi32, #tpu.memory_space<vmem>>)
    %dma_wait3A_228 = arith.constant 5 : i32
    %dma_wait3A_229 = arith.constant 160 : i32
    %dma_wait3A_230 = tpu.memref_slice %arg5[%dma_wait3A_229] : memref<640xi32, #tpu.memory_space<vmem>> -> memref<32xi32, #tpu.memory_space<vmem>>
    %dma_wait3A_231 = tpu.memref_slice %arg3[%dma_wait3A_228, %mul3A_2] : memref<20x1024xi32, #tpu.memory_space<hbm>> -> memref<1x32xi32, #tpu.memory_space<hbm>>
    %dma_wait3A_232 = tpu.memref_squeeze %dma_wait3A_231 : memref<1x32xi32, #tpu.memory_space<hbm>> -> memref<32xi32, #tpu.memory_space<hbm>>
    %dma_wait3A_233 = arith.constant 160 : i32
    %dma_wait3A_234 = tpu.memref_slice %arg5[%dma_wait3A_233] : memref<640xi32, #tpu.memory_space<vmem>> -> memref<32xi32, #tpu.memory_space<vmem>>
    %dma_wait3A_235 = tpu.memref_slice %arg3[%dma_wait3A_228, %mul3A_2] : memref<20x1024xi32, #tpu.memory_space<hbm>> -> memref<1x32xi32, #tpu.memory_space<hbm>>
    %dma_wait3A_236 = tpu.memref_squeeze %dma_wait3A_235 : memref<1x32xi32, #tpu.memory_space<hbm>> -> memref<32xi32, #tpu.memory_space<hbm>>
    tpu.wait_dma2 semaphore(%arg9 : memref<!tpu.dma_semaphore, #tpu.memory_space<semaphore_mem>>) src(%dma_wait3A_236 : memref<32xi32, #tpu.memory_space<hbm>>) dst(%dma_wait3A_234 : memref<32xi32, #tpu.memory_space<vmem>>)
    %dma_wait3A_237 = arith.constant 6 : i32
    %dma_wait3A_238 = arith.constant 192 : i32
    %dma_wait3A_239 = tpu.memref_slice %arg5[%dma_wait3A_238] : memref<640xi32, #tpu.memory_space<vmem>> -> memref<32xi32, #tpu.memory_space<vmem>>
    %dma_wait3A_240 = tpu.memref_slice %arg3[%dma_wait3A_237, %mul3A_2] : memref<20x1024xi32, #tpu.memory_space<hbm>> -> memref<1x32xi32, #tpu.memory_space<hbm>>
    %dma_wait3A_241 = tpu.memref_squeeze %dma_wait3A_240 : memref<1x32xi32, #tpu.memory_space<hbm>> -> memref<32xi32, #tpu.memory_space<hbm>>
    %dma_wait3A_242 = arith.constant 192 : i32
    %dma_wait3A_243 = tpu.memref_slice %arg5[%dma_wait3A_242] : memref<640xi32, #tpu.memory_space<vmem>> -> memref<32xi32, #tpu.memory_space<vmem>>
    %dma_wait3A_244 = tpu.memref_slice %arg3[%dma_wait3A_237, %mul3A_2] : memref<20x1024xi32, #tpu.memory_space<hbm>> -> memref<1x32xi32, #tpu.memory_space<hbm>>
    %dma_wait3A_245 = tpu.memref_squeeze %dma_wait3A_244 : memref<1x32xi32, #tpu.memory_space<hbm>> -> memref<32xi32, #tpu.memory_space<hbm>>
    tpu.wait_dma2 semaphore(%arg9 : memref<!tpu.dma_semaphore, #tpu.memory_space<semaphore_mem>>) src(%dma_wait3A_245 : memref<32xi32, #tpu.memory_space<hbm>>) dst(%dma_wait3A_243 : memref<32xi32, #tpu.memory_space<vmem>>)
    %dma_wait3A_246 = arith.constant 7 : i32
    %dma_wait3A_247 = arith.constant 224 : i32
    %dma_wait3A_248 = tpu.memref_slice %arg5[%dma_wait3A_247] : memref<640xi32, #tpu.memory_space<vmem>> -> memref<32xi32, #tpu.memory_space<vmem>>
    %dma_wait3A_249 = tpu.memref_slice %arg3[%dma_wait3A_246, %mul3A_2] : memref<20x1024xi32, #tpu.memory_space<hbm>> -> memref<1x32xi32, #tpu.memory_space<hbm>>
    %dma_wait3A_250 = tpu.memref_squeeze %dma_wait3A_249 : memref<1x32xi32, #tpu.memory_space<hbm>> -> memref<32xi32, #tpu.memory_space<hbm>>
    %dma_wait3A_251 = arith.constant 224 : i32
    %dma_wait3A_252 = tpu.memref_slice %arg5[%dma_wait3A_251] : memref<640xi32, #tpu.memory_space<vmem>> -> memref<32xi32, #tpu.memory_space<vmem>>
    %dma_wait3A_253 = tpu.memref_slice %arg3[%dma_wait3A_246, %mul3A_2] : memref<20x1024xi32, #tpu.memory_space<hbm>> -> memref<1x32xi32, #tpu.memory_space<hbm>>
    %dma_wait3A_254 = tpu.memref_squeeze %dma_wait3A_253 : memref<1x32xi32, #tpu.memory_space<hbm>> -> memref<32xi32, #tpu.memory_space<hbm>>
    tpu.wait_dma2 semaphore(%arg9 : memref<!tpu.dma_semaphore, #tpu.memory_space<semaphore_mem>>) src(%dma_wait3A_254 : memref<32xi32, #tpu.memory_space<hbm>>) dst(%dma_wait3A_252 : memref<32xi32, #tpu.memory_space<vmem>>)
    %dma_wait3A_255 = arith.constant 8 : i32
    %dma_wait3A_256 = arith.constant 256 : i32
    %dma_wait3A_257 = tpu.memref_slice %arg5[%dma_wait3A_256] : memref<640xi32, #tpu.memory_space<vmem>> -> memref<32xi32, #tpu.memory_space<vmem>>
    %dma_wait3A_258 = tpu.memref_slice %arg3[%dma_wait3A_255, %mul3A_2] : memref<20x1024xi32, #tpu.memory_space<hbm>> -> memref<1x32xi32, #tpu.memory_space<hbm>>
    %dma_wait3A_259 = tpu.memref_squeeze %dma_wait3A_258 : memref<1x32xi32, #tpu.memory_space<hbm>> -> memref<32xi32, #tpu.memory_space<hbm>>
    %dma_wait3A_260 = arith.constant 256 : i32
    %dma_wait3A_261 = tpu.memref_slice %arg5[%dma_wait3A_260] : memref<640xi32, #tpu.memory_space<vmem>> -> memref<32xi32, #tpu.memory_space<vmem>>
    %dma_wait3A_262 = tpu.memref_slice %arg3[%dma_wait3A_255, %mul3A_2] : memref<20x1024xi32, #tpu.memory_space<hbm>> -> memref<1x32xi32, #tpu.memory_space<hbm>>
    %dma_wait3A_263 = tpu.memref_squeeze %dma_wait3A_262 : memref<1x32xi32, #tpu.memory_space<hbm>> -> memref<32xi32, #tpu.memory_space<hbm>>
    tpu.wait_dma2 semaphore(%arg9 : memref<!tpu.dma_semaphore, #tpu.memory_space<semaphore_mem>>) src(%dma_wait3A_263 : memref<32xi32, #tpu.memory_space<hbm>>) dst(%dma_wait3A_261 : memref<32xi32, #tpu.memory_space<vmem>>)
    %dma_wait3A_264 = arith.constant 9 : i32
    %dma_wait3A_265 = arith.constant 288 : i32
    %dma_wait3A_266 = tpu.memref_slice %arg5[%dma_wait3A_265] : memref<640xi32, #tpu.memory_space<vmem>> -> memref<32xi32, #tpu.memory_space<vmem>>
    %dma_wait3A_267 = tpu.memref_slice %arg3[%dma_wait3A_264, %mul3A_2] : memref<20x1024xi32, #tpu.memory_space<hbm>> -> memref<1x32xi32, #tpu.memory_space<hbm>>
    %dma_wait3A_268 = tpu.memref_squeeze %dma_wait3A_267 : memref<1x32xi32, #tpu.memory_space<hbm>> -> memref<32xi32, #tpu.memory_space<hbm>>
    %dma_wait3A_269 = arith.constant 288 : i32
    %dma_wait3A_270 = tpu.memref_slice %arg5[%dma_wait3A_269] : memref<640xi32, #tpu.memory_space<vmem>> -> memref<32xi32, #tpu.memory_space<vmem>>
    %dma_wait3A_271 = tpu.memref_slice %arg3[%dma_wait3A_264, %mul3A_2] : memref<20x1024xi32, #tpu.memory_space<hbm>> -> memref<1x32xi32, #tpu.memory_space<hbm>>
    %dma_wait3A_272 = tpu.memref_squeeze %dma_wait3A_271 : memref<1x32xi32, #tpu.memory_space<hbm>> -> memref<32xi32, #tpu.memory_space<hbm>>
    tpu.wait_dma2 semaphore(%arg9 : memref<!tpu.dma_semaphore, #tpu.memory_space<semaphore_mem>>) src(%dma_wait3A_272 : memref<32xi32, #tpu.memory_space<hbm>>) dst(%dma_wait3A_270 : memref<32xi32, #tpu.memory_space<vmem>>)
    %dma_wait3A_273 = arith.constant 10 : i32
    %dma_wait3A_274 = arith.constant 320 : i32
    %dma_wait3A_275 = tpu.memref_slice %arg5[%dma_wait3A_274] : memref<640xi32, #tpu.memory_space<vmem>> -> memref<32xi32, #tpu.memory_space<vmem>>
    %dma_wait3A_276 = tpu.memref_slice %arg3[%dma_wait3A_273, %mul3A_2] : memref<20x1024xi32, #tpu.memory_space<hbm>> -> memref<1x32xi32, #tpu.memory_space<hbm>>
    %dma_wait3A_277 = tpu.memref_squeeze %dma_wait3A_276 : memref<1x32xi32, #tpu.memory_space<hbm>> -> memref<32xi32, #tpu.memory_space<hbm>>
    %dma_wait3A_278 = arith.constant 320 : i32
    %dma_wait3A_279 = tpu.memref_slice %arg5[%dma_wait3A_278] : memref<640xi32, #tpu.memory_space<vmem>> -> memref<32xi32, #tpu.memory_space<vmem>>
    %dma_wait3A_280 = tpu.memref_slice %arg3[%dma_wait3A_273, %mul3A_2] : memref<20x1024xi32, #tpu.memory_space<hbm>> -> memref<1x32xi32, #tpu.memory_space<hbm>>
    %dma_wait3A_281 = tpu.memref_squeeze %dma_wait3A_280 : memref<1x32xi32, #tpu.memory_space<hbm>> -> memref<32xi32, #tpu.memory_space<hbm>>
    tpu.wait_dma2 semaphore(%arg9 : memref<!tpu.dma_semaphore, #tpu.memory_space<semaphore_mem>>) src(%dma_wait3A_281 : memref<32xi32, #tpu.memory_space<hbm>>) dst(%dma_wait3A_279 : memref<32xi32, #tpu.memory_space<vmem>>)
    %dma_wait3A_282 = arith.constant 11 : i32
    %dma_wait3A_283 = arith.constant 352 : i32
    %dma_wait3A_284 = tpu.memref_slice %arg5[%dma_wait3A_283] : memref<640xi32, #tpu.memory_space<vmem>> -> memref<32xi32, #tpu.memory_space<vmem>>
    %dma_wait3A_285 = tpu.memref_slice %arg3[%dma_wait3A_282, %mul3A_2] : memref<20x1024xi32, #tpu.memory_space<hbm>> -> memref<1x32xi32, #tpu.memory_space<hbm>>
    %dma_wait3A_286 = tpu.memref_squeeze %dma_wait3A_285 : memref<1x32xi32, #tpu.memory_space<hbm>> -> memref<32xi32, #tpu.memory_space<hbm>>
    %dma_wait3A_287 = arith.constant 352 : i32
    %dma_wait3A_288 = tpu.memref_slice %arg5[%dma_wait3A_287] : memref<640xi32, #tpu.memory_space<vmem>> -> memref<32xi32, #tpu.memory_space<vmem>>
    %dma_wait3A_289 = tpu.memref_slice %arg3[%dma_wait3A_282, %mul3A_2] : memref<20x1024xi32, #tpu.memory_space<hbm>> -> memref<1x32xi32, #tpu.memory_space<hbm>>
    %dma_wait3A_290 = tpu.memref_squeeze %dma_wait3A_289 : memref<1x32xi32, #tpu.memory_space<hbm>> -> memref<32xi32, #tpu.memory_space<hbm>>
    tpu.wait_dma2 semaphore(%arg9 : memref<!tpu.dma_semaphore, #tpu.memory_space<semaphore_mem>>) src(%dma_wait3A_290 : memref<32xi32, #tpu.memory_space<hbm>>) dst(%dma_wait3A_288 : memref<32xi32, #tpu.memory_space<vmem>>)
    %dma_wait3A_291 = arith.constant 12 : i32
    %dma_wait3A_292 = arith.constant 384 : i32
    %dma_wait3A_293 = tpu.memref_slice %arg5[%dma_wait3A_292] : memref<640xi32, #tpu.memory_space<vmem>> -> memref<32xi32, #tpu.memory_space<vmem>>
    %dma_wait3A_294 = tpu.memref_slice %arg3[%dma_wait3A_291, %mul3A_2] : memref<20x1024xi32, #tpu.memory_space<hbm>> -> memref<1x32xi32, #tpu.memory_space<hbm>>
    %dma_wait3A_295 = tpu.memref_squeeze %dma_wait3A_294 : memref<1x32xi32, #tpu.memory_space<hbm>> -> memref<32xi32, #tpu.memory_space<hbm>>
    %dma_wait3A_296 = arith.constant 384 : i32
    %dma_wait3A_297 = tpu.memref_slice %arg5[%dma_wait3A_296] : memref<640xi32, #tpu.memory_space<vmem>> -> memref<32xi32, #tpu.memory_space<vmem>>
    %dma_wait3A_298 = tpu.memref_slice %arg3[%dma_wait3A_291, %mul3A_2] : memref<20x1024xi32, #tpu.memory_space<hbm>> -> memref<1x32xi32, #tpu.memory_space<hbm>>
    %dma_wait3A_299 = tpu.memref_squeeze %dma_wait3A_298 : memref<1x32xi32, #tpu.memory_space<hbm>> -> memref<32xi32, #tpu.memory_space<hbm>>
    tpu.wait_dma2 semaphore(%arg9 : memref<!tpu.dma_semaphore, #tpu.memory_space<semaphore_mem>>) src(%dma_wait3A_299 : memref<32xi32, #tpu.memory_space<hbm>>) dst(%dma_wait3A_297 : memref<32xi32, #tpu.memory_space<vmem>>)
    %dma_wait3A_300 = arith.constant 13 : i32
    %dma_wait3A_301 = arith.constant 416 : i32
    %dma_wait3A_302 = tpu.memref_slice %arg5[%dma_wait3A_301] : memref<640xi32, #tpu.memory_space<vmem>> -> memref<32xi32, #tpu.memory_space<vmem>>
    %dma_wait3A_303 = tpu.memref_slice %arg3[%dma_wait3A_300, %mul3A_2] : memref<20x1024xi32, #tpu.memory_space<hbm>> -> memref<1x32xi32, #tpu.memory_space<hbm>>
    %dma_wait3A_304 = tpu.memref_squeeze %dma_wait3A_303 : memref<1x32xi32, #tpu.memory_space<hbm>> -> memref<32xi32, #tpu.memory_space<hbm>>
    %dma_wait3A_305 = arith.constant 416 : i32
    %dma_wait3A_306 = tpu.memref_slice %arg5[%dma_wait3A_305] : memref<640xi32, #tpu.memory_space<vmem>> -> memref<32xi32, #tpu.memory_space<vmem>>
    %dma_wait3A_307 = tpu.memref_slice %arg3[%dma_wait3A_300, %mul3A_2] : memref<20x1024xi32, #tpu.memory_space<hbm>> -> memref<1x32xi32, #tpu.memory_space<hbm>>
    %dma_wait3A_308 = tpu.memref_squeeze %dma_wait3A_307 : memref<1x32xi32, #tpu.memory_space<hbm>> -> memref<32xi32, #tpu.memory_space<hbm>>
    tpu.wait_dma2 semaphore(%arg9 : memref<!tpu.dma_semaphore, #tpu.memory_space<semaphore_mem>>) src(%dma_wait3A_308 : memref<32xi32, #tpu.memory_space<hbm>>) dst(%dma_wait3A_306 : memref<32xi32, #tpu.memory_space<vmem>>)
    %dma_wait3A_309 = arith.constant 14 : i32
    %dma_wait3A_310 = arith.constant 448 : i32
    %dma_wait3A_311 = tpu.memref_slice %arg5[%dma_wait3A_310] : memref<640xi32, #tpu.memory_space<vmem>> -> memref<32xi32, #tpu.memory_space<vmem>>
    %dma_wait3A_312 = tpu.memref_slice %arg3[%dma_wait3A_309, %mul3A_2] : memref<20x1024xi32, #tpu.memory_space<hbm>> -> memref<1x32xi32, #tpu.memory_space<hbm>>
    %dma_wait3A_313 = tpu.memref_squeeze %dma_wait3A_312 : memref<1x32xi32, #tpu.memory_space<hbm>> -> memref<32xi32, #tpu.memory_space<hbm>>
    %dma_wait3A_314 = arith.constant 448 : i32
    %dma_wait3A_315 = tpu.memref_slice %arg5[%dma_wait3A_314] : memref<640xi32, #tpu.memory_space<vmem>> -> memref<32xi32, #tpu.memory_space<vmem>>
    %dma_wait3A_316 = tpu.memref_slice %arg3[%dma_wait3A_309, %mul3A_2] : memref<20x1024xi32, #tpu.memory_space<hbm>> -> memref<1x32xi32, #tpu.memory_space<hbm>>
    %dma_wait3A_317 = tpu.memref_squeeze %dma_wait3A_316 : memref<1x32xi32, #tpu.memory_space<hbm>> -> memref<32xi32, #tpu.memory_space<hbm>>
    tpu.wait_dma2 semaphore(%arg9 : memref<!tpu.dma_semaphore, #tpu.memory_space<semaphore_mem>>) src(%dma_wait3A_317 : memref<32xi32, #tpu.memory_space<hbm>>) dst(%dma_wait3A_315 : memref<32xi32, #tpu.memory_space<vmem>>)
    %dma_wait3A_318 = arith.constant 15 : i32
    %dma_wait3A_319 = arith.constant 480 : i32
    %dma_wait3A_320 = tpu.memref_slice %arg5[%dma_wait3A_319] : memref<640xi32, #tpu.memory_space<vmem>> -> memref<32xi32, #tpu.memory_space<vmem>>
    %dma_wait3A_321 = tpu.memref_slice %arg3[%dma_wait3A_318, %mul3A_2] : memref<20x1024xi32, #tpu.memory_space<hbm>> -> memref<1x32xi32, #tpu.memory_space<hbm>>
    %dma_wait3A_322 = tpu.memref_squeeze %dma_wait3A_321 : memref<1x32xi32, #tpu.memory_space<hbm>> -> memref<32xi32, #tpu.memory_space<hbm>>
    %dma_wait3A_323 = arith.constant 480 : i32
    %dma_wait3A_324 = tpu.memref_slice %arg5[%dma_wait3A_323] : memref<640xi32, #tpu.memory_space<vmem>> -> memref<32xi32, #tpu.memory_space<vmem>>
    %dma_wait3A_325 = tpu.memref_slice %arg3[%dma_wait3A_318, %mul3A_2] : memref<20x1024xi32, #tpu.memory_space<hbm>> -> memref<1x32xi32, #tpu.memory_space<hbm>>
    %dma_wait3A_326 = tpu.memref_squeeze %dma_wait3A_325 : memref<1x32xi32, #tpu.memory_space<hbm>> -> memref<32xi32, #tpu.memory_space<hbm>>
    tpu.wait_dma2 semaphore(%arg9 : memref<!tpu.dma_semaphore, #tpu.memory_space<semaphore_mem>>) src(%dma_wait3A_326 : memref<32xi32, #tpu.memory_space<hbm>>) dst(%dma_wait3A_324 : memref<32xi32, #tpu.memory_space<vmem>>)
    %dma_wait3A_327 = arith.constant 16 : i32
    %dma_wait3A_328 = arith.constant 512 : i32
    %dma_wait3A_329 = tpu.memref_slice %arg5[%dma_wait3A_328] : memref<640xi32, #tpu.memory_space<vmem>> -> memref<32xi32, #tpu.memory_space<vmem>>
    %dma_wait3A_330 = tpu.memref_slice %arg3[%dma_wait3A_327, %mul3A_2] : memref<20x1024xi32, #tpu.memory_space<hbm>> -> memref<1x32xi32, #tpu.memory_space<hbm>>
    %dma_wait3A_331 = tpu.memref_squeeze %dma_wait3A_330 : memref<1x32xi32, #tpu.memory_space<hbm>> -> memref<32xi32, #tpu.memory_space<hbm>>
    %dma_wait3A_332 = arith.constant 512 : i32
    %dma_wait3A_333 = tpu.memref_slice %arg5[%dma_wait3A_332] : memref<640xi32, #tpu.memory_space<vmem>> -> memref<32xi32, #tpu.memory_space<vmem>>
    %dma_wait3A_334 = tpu.memref_slice %arg3[%dma_wait3A_327, %mul3A_2] : memref<20x1024xi32, #tpu.memory_space<hbm>> -> memref<1x32xi32, #tpu.memory_space<hbm>>
    %dma_wait3A_335 = tpu.memref_squeeze %dma_wait3A_334 : memref<1x32xi32, #tpu.memory_space<hbm>> -> memref<32xi32, #tpu.memory_space<hbm>>
    tpu.wait_dma2 semaphore(%arg9 : memref<!tpu.dma_semaphore, #tpu.memory_space<semaphore_mem>>) src(%dma_wait3A_335 : memref<32xi32, #tpu.memory_space<hbm>>) dst(%dma_wait3A_333 : memref<32xi32, #tpu.memory_space<vmem>>)
    %dma_wait3A_336 = arith.constant 17 : i32
    %dma_wait3A_337 = arith.constant 544 : i32
    %dma_wait3A_338 = tpu.memref_slice %arg5[%dma_wait3A_337] : memref<640xi32, #tpu.memory_space<vmem>> -> memref<32xi32, #tpu.memory_space<vmem>>
    %dma_wait3A_339 = tpu.memref_slice %arg3[%dma_wait3A_336, %mul3A_2] : memref<20x1024xi32, #tpu.memory_space<hbm>> -> memref<1x32xi32, #tpu.memory_space<hbm>>
    %dma_wait3A_340 = tpu.memref_squeeze %dma_wait3A_339 : memref<1x32xi32, #tpu.memory_space<hbm>> -> memref<32xi32, #tpu.memory_space<hbm>>
    %dma_wait3A_341 = arith.constant 544 : i32
    %dma_wait3A_342 = tpu.memref_slice %arg5[%dma_wait3A_341] : memref<640xi32, #tpu.memory_space<vmem>> -> memref<32xi32, #tpu.memory_space<vmem>>
    %dma_wait3A_343 = tpu.memref_slice %arg3[%dma_wait3A_336, %mul3A_2] : memref<20x1024xi32, #tpu.memory_space<hbm>> -> memref<1x32xi32, #tpu.memory_space<hbm>>
    %dma_wait3A_344 = tpu.memref_squeeze %dma_wait3A_343 : memref<1x32xi32, #tpu.memory_space<hbm>> -> memref<32xi32, #tpu.memory_space<hbm>>
    tpu.wait_dma2 semaphore(%arg9 : memref<!tpu.dma_semaphore, #tpu.memory_space<semaphore_mem>>) src(%dma_wait3A_344 : memref<32xi32, #tpu.memory_space<hbm>>) dst(%dma_wait3A_342 : memref<32xi32, #tpu.memory_space<vmem>>)
    %dma_wait3A_345 = arith.constant 18 : i32
    %dma_wait3A_346 = arith.constant 576 : i32
    %dma_wait3A_347 = tpu.memref_slice %arg5[%dma_wait3A_346] : memref<640xi32, #tpu.memory_space<vmem>> -> memref<32xi32, #tpu.memory_space<vmem>>
    %dma_wait3A_348 = tpu.memref_slice %arg3[%dma_wait3A_345, %mul3A_2] : memref<20x1024xi32, #tpu.memory_space<hbm>> -> memref<1x32xi32, #tpu.memory_space<hbm>>
    %dma_wait3A_349 = tpu.memref_squeeze %dma_wait3A_348 : memref<1x32xi32, #tpu.memory_space<hbm>> -> memref<32xi32, #tpu.memory_space<hbm>>
    %dma_wait3A_350 = arith.constant 576 : i32
    %dma_wait3A_351 = tpu.memref_slice %arg5[%dma_wait3A_350] : memref<640xi32, #tpu.memory_space<vmem>> -> memref<32xi32, #tpu.memory_space<vmem>>
    %dma_wait3A_352 = tpu.memref_slice %arg3[%dma_wait3A_345, %mul3A_2] : memref<20x1024xi32, #tpu.memory_space<hbm>> -> memref<1x32xi32, #tpu.memory_space<hbm>>
    %dma_wait3A_353 = tpu.memref_squeeze %dma_wait3A_352 : memref<1x32xi32, #tpu.memory_space<hbm>> -> memref<32xi32, #tpu.memory_space<hbm>>
    tpu.wait_dma2 semaphore(%arg9 : memref<!tpu.dma_semaphore, #tpu.memory_space<semaphore_mem>>) src(%dma_wait3A_353 : memref<32xi32, #tpu.memory_space<hbm>>) dst(%dma_wait3A_351 : memref<32xi32, #tpu.memory_space<vmem>>)
    %dma_wait3A_354 = arith.constant 19 : i32
    %dma_wait3A_355 = arith.constant 608 : i32
    %dma_wait3A_356 = tpu.memref_slice %arg5[%dma_wait3A_355] : memref<640xi32, #tpu.memory_space<vmem>> -> memref<32xi32, #tpu.memory_space<vmem>>
    %dma_wait3A_357 = tpu.memref_slice %arg3[%dma_wait3A_354, %mul3A_2] : memref<20x1024xi32, #tpu.memory_space<hbm>> -> memref<1x32xi32, #tpu.memory_space<hbm>>
    %dma_wait3A_358 = tpu.memref_squeeze %dma_wait3A_357 : memref<1x32xi32, #tpu.memory_space<hbm>> -> memref<32xi32, #tpu.memory_space<hbm>>
    %dma_wait3A_359 = arith.constant 608 : i32
    %dma_wait3A_360 = tpu.memref_slice %arg5[%dma_wait3A_359] : memref<640xi32, #tpu.memory_space<vmem>> -> memref<32xi32, #tpu.memory_space<vmem>>
    %dma_wait3A_361 = tpu.memref_slice %arg3[%dma_wait3A_354, %mul3A_2] : memref<20x1024xi32, #tpu.memory_space<hbm>> -> memref<1x32xi32, #tpu.memory_space<hbm>>
    %dma_wait3A_362 = tpu.memref_squeeze %dma_wait3A_361 : memref<1x32xi32, #tpu.memory_space<hbm>> -> memref<32xi32, #tpu.memory_space<hbm>>
    tpu.wait_dma2 semaphore(%arg9 : memref<!tpu.dma_semaphore, #tpu.memory_space<semaphore_mem>>) src(%dma_wait3A_362 : memref<32xi32, #tpu.memory_space<hbm>>) dst(%dma_wait3A_360 : memref<32xi32, #tpu.memory_space<vmem>>)
    %barrier3A = arith.constant 0 : index
    tpu.barrier barrier_id(%barrier3A)
    %dma_start3A_363 = arith.constant 0 : i32
    %dma_start3A_364 = arith.constant 0 : i32
    %dma_start3A_365 = tpu.memref_slice %arg8[%dma_start3A_363, %dma_start3A_364] : memref<1000x128xf32, #tpu.memory_space<vmem_shared>> -> memref<1000x128xf32, #tpu.memory_space<vmem_shared>>
    tpu.enqueue_indirect_dma source(%dma_start3A_365 : memref<1000x128xf32, #tpu.memory_space<vmem_shared>>) target(%arg6 : memref<640x128xf32, #tpu.memory_space<vmem>>) offsets(%arg5 : memref<640xi32, #tpu.memory_space<vmem>>) semaphore(%arg9 : memref<!tpu.dma_semaphore, #tpu.memory_space<semaphore_mem>>)
    %dma_wait3A_366 = arith.constant 0 : i32
    %dma_wait3A_367 = arith.constant 0 : i32
    %dma_wait3A_368 = tpu.memref_slice %arg8[%dma_wait3A_366, %dma_wait3A_367] : memref<1000x128xf32, #tpu.memory_space<vmem_shared>> -> memref<1000x128xf32, #tpu.memory_space<vmem_shared>>
    tpu.wait_indirect_dma semaphore(%arg9 : memref<!tpu.dma_semaphore, #tpu.memory_space<semaphore_mem>>) src(%dma_wait3A_368 : memref<1000x128xf32, #tpu.memory_space<vmem_shared>>) dst(%arg6 : memref<640x128xf32, #tpu.memory_space<vmem>>)
    %scan3A = arith.constant 0 : i32
    %scan3A_369 = arith.constant 32 : i32
    %scan3A_370 = arith.addi %scan3A, %scan3A_369 : i32
    %scan3A_371 = arith.constant 1 : i32
    scf.for %scan3A_373 = %scan3A to %scan3A_370 step %scan3A_371  : i32 {
      %mul3A_374 = arith.constant 1 : i32
      %mul3A_375 = arith.muli %scan3A_373, %mul3A_374 : i32
      %add3A_376 = arith.constant 0 : i32
      %add3A_377 = arith.addi %add3A_376, %mul3A_375 : i32
      %add3A_378 = arith.constant 0 : i32
      %add3A_379 = arith.addi %add3A_378, %add3A_377 : i32
      %get3A = arith.index_cast %add3A_379 : i32 to index
      %get3A_380 = arith.constant 0 : index
      %get3A_381 = tpu.vector_load %arg6[%get3A, %get3A_380] {strides = array<i32>} : memref<640x128xf32, #tpu.memory_space<vmem>>, vector<1x16xf32>,
      %get3A_382 = vector.shape_cast %get3A_381 : vector<1x16xf32> to vector<16xf32>
      %swap3A = arith.index_cast %add3A_377 : i32 to index
      %swap3A_383 = arith.constant 0 : index
      %swap3A_384 = tpu.vector_load %arg7[%swap3A, %swap3A_383] {strides = array<i32>} : memref<32x640xf32, #tpu.memory_space<vmem>>, vector<1x16xf32>,
      %swap3A_385 = vector.shape_cast %swap3A_384 : vector<1x16xf32> to vector<16xf32>
      %swap3A_386 = vector.shape_cast %get3A_382 : vector<16xf32> to vector<1x16xf32>
      tpu.vector_store %arg7[%swap3A, %swap3A_383], %swap3A_386 {strides = array<i32>} : memref<32x640xf32, #tpu.memory_space<vmem>>, vector<1x16xf32>,
      %get3A_387 = arith.index_cast %add3A_379 : i32 to index
      %get3A_388 = arith.constant 16 : index
      %get3A_389 = tpu.vector_load %arg6[%get3A_387, %get3A_388] {strides = array<i32>} : memref<640x128xf32, #tpu.memory_space<vmem>>, vector<1x16xf32>,
      %get3A_390 = vector.shape_cast %get3A_389 : vector<1x16xf32> to vector<16xf32>
      %swap3A_391 = arith.index_cast %add3A_377 : i32 to index
      %swap3A_392 = arith.constant 16 : index
      %swap3A_393 = tpu.vector_load %arg7[%swap3A_391, %swap3A_392] {strides = array<i32>} : memref<32x640xf32, #tpu.memory_space<vmem>>, vector<1x16xf32>,
      %swap3A_394 = vector.shape_cast %swap3A_393 : vector<1x16xf32> to vector<16xf32>
      %swap3A_395 = vector.shape_cast %get3A_390 : vector<16xf32> to vector<1x16xf32>
      tpu.vector_store %arg7[%swap3A_391, %swap3A_392], %swap3A_395 {strides = array<i32>} : memref<32x640xf32, #tpu.memory_space<vmem>>, vector<1x16xf32>,
      %add3A_396 = arith.constant 32 : i32
      %add3A_397 = arith.addi %add3A_396, %add3A_377 : i32
      %get3A_398 = arith.index_cast %add3A_397 : i32 to index
      %get3A_399 = arith.constant 0 : index
      %get3A_400 = tpu.vector_load %arg6[%get3A_398, %get3A_399] {strides = array<i32>} : memref<640x128xf32, #tpu.memory_space<vmem>>, vector<1x16xf32>,
      %get3A_401 = vector.shape_cast %get3A_400 : vector<1x16xf32> to vector<16xf32>
      %swap3A_402 = arith.index_cast %add3A_377 : i32 to index
      %swap3A_403 = arith.constant 32 : index
      %swap3A_404 = tpu.vector_load %arg7[%swap3A_402, %swap3A_403] {strides = array<i32>} : memref<32x640xf32, #tpu.memory_space<vmem>>, vector<1x16xf32>,
      %swap3A_405 = vector.shape_cast %swap3A_404 : vector<1x16xf32> to vector<16xf32>
      %swap3A_406 = vector.shape_cast %get3A_401 : vector<16xf32> to vector<1x16xf32>
      tpu.vector_store %arg7[%swap3A_402, %swap3A_403], %swap3A_406 {strides = array<i32>} : memref<32x640xf32, #tpu.memory_space<vmem>>, vector<1x16xf32>,
      %get3A_407 = arith.index_cast %add3A_397 : i32 to index
      %get3A_408 = arith.constant 16 : index
      %get3A_409 = tpu.vector_load %arg6[%get3A_407, %get3A_408] {strides = array<i32>} : memref<640x128xf32, #tpu.memory_space<vmem>>, vector<1x16xf32>,
      %get3A_410 = vector.shape_cast %get3A_409 : vector<1x16xf32> to vector<16xf32>
      %swap3A_411 = arith.index_cast %add3A_377 : i32 to index
      %swap3A_412 = arith.constant 48 : index
      %swap3A_413 = tpu.vector_load %arg7[%swap3A_411, %swap3A_412] {strides = array<i32>} : memref<32x640xf32, #tpu.memory_space<vmem>>, vector<1x16xf32>,
      %swap3A_414 = vector.shape_cast %swap3A_413 : vector<1x16xf32> to vector<16xf32>
      %swap3A_415 = vector.shape_cast %get3A_410 : vector<16xf32> to vector<1x16xf32>
      tpu.vector_store %arg7[%swap3A_411, %swap3A_412], %swap3A_415 {strides = array<i32>} : memref<32x640xf32, #tpu.memory_space<vmem>>, vector<1x16xf32>,
      %add3A_416 = arith.constant 64 : i32
      %add3A_417 = arith.addi %add3A_416, %add3A_377 : i32
      %get3A_418 = arith.index_cast %add3A_417 : i32 to index
      %get3A_419 = arith.constant 0 : index
      %get3A_420 = tpu.vector_load %arg6[%get3A_418, %get3A_419] {strides = array<i32>} : memref<640x128xf32, #tpu.memory_space<vmem>>, vector<1x16xf32>,
      %get3A_421 = vector.shape_cast %get3A_420 : vector<1x16xf32> to vector<16xf32>
      %swap3A_422 = arith.index_cast %add3A_377 : i32 to index
      %swap3A_423 = arith.constant 64 : index
      %swap3A_424 = tpu.vector_load %arg7[%swap3A_422, %swap3A_423] {strides = array<i32>} : memref<32x640xf32, #tpu.memory_space<vmem>>, vector<1x16xf32>,
      %swap3A_425 = vector.shape_cast %swap3A_424 : vector<1x16xf32> to vector<16xf32>
      %swap3A_426 = vector.shape_cast %get3A_421 : vector<16xf32> to vector<1x16xf32>
      tpu.vector_store %arg7[%swap3A_422, %swap3A_423], %swap3A_426 {strides = array<i32>} : memref<32x640xf32, #tpu.memory_space<vmem>>, vector<1x16xf32>,
      %get3A_427 = arith.index_cast %add3A_417 : i32 to index
      %get3A_428 = arith.constant 16 : index
      %get3A_429 = tpu.vector_load %arg6[%get3A_427, %get3A_428] {strides = array<i32>} : memref<640x128xf32, #tpu.memory_space<vmem>>, vector<1x16xf32>,
      %get3A_430 = vector.shape_cast %get3A_429 : vector<1x16xf32> to vector<16xf32>
      %swap3A_431 = arith.index_cast %add3A_377 : i32 to index
      %swap3A_432 = arith.constant 80 : index
      %swap3A_433 = tpu.vector_load %arg7[%swap3A_431, %swap3A_432] {strides = array<i32>} : memref<32x640xf32, #tpu.memory_space<vmem>>, vector<1x16xf32>,
      %swap3A_434 = vector.shape_cast %swap3A_433 : vector<1x16xf32> to vector<16xf32>
      %swap3A_435 = vector.shape_cast %get3A_430 : vector<16xf32> to vector<1x16xf32>
      tpu.vector_store %arg7[%swap3A_431, %swap3A_432], %swap3A_435 {strides = array<i32>} : memref<32x640xf32, #tpu.memory_space<vmem>>, vector<1x16xf32>,
      %add3A_436 = arith.constant 96 : i32
      %add3A_437 = arith.addi %add3A_436, %add3A_377 : i32
      %get3A_438 = arith.index_cast %add3A_437 : i32 to index
      %get3A_439 = arith.constant 0 : index
      %get3A_440 = tpu.vector_load %arg6[%get3A_438, %get3A_439] {strides = array<i32>} : memref<640x128xf32, #tpu.memory_space<vmem>>, vector<1x16xf32>,
      %get3A_441 = vector.shape_cast %get3A_440 : vector<1x16xf32> to vector<16xf32>
      %swap3A_442 = arith.index_cast %add3A_377 : i32 to index
      %swap3A_443 = arith.constant 96 : index
      %swap3A_444 = tpu.vector_load %arg7[%swap3A_442, %swap3A_443] {strides = array<i32>} : memref<32x640xf32, #tpu.memory_space<vmem>>, vector<1x16xf32>,
      %swap3A_445 = vector.shape_cast %swap3A_444 : vector<1x16xf32> to vector<16xf32>
      %swap3A_446 = vector.shape_cast %get3A_441 : vector<16xf32> to vector<1x16xf32>
      tpu.vector_store %arg7[%swap3A_442, %swap3A_443], %swap3A_446 {strides = array<i32>} : memref<32x640xf32, #tpu.memory_space<vmem>>, vector<1x16xf32>,
      %get3A_447 = arith.index_cast %add3A_437 : i32 to index
      %get3A_448 = arith.constant 16 : index
      %get3A_449 = tpu.vector_load %arg6[%get3A_447, %get3A_448] {strides = array<i32>} : memref<640x128xf32, #tpu.memory_space<vmem>>, vector<1x16xf32>,
      %get3A_450 = vector.shape_cast %get3A_449 : vector<1x16xf32> to vector<16xf32>
      %swap3A_451 = arith.index_cast %add3A_377 : i32 to index
      %swap3A_452 = arith.constant 112 : index
      %swap3A_453 = tpu.vector_load %arg7[%swap3A_451, %swap3A_452] {strides = array<i32>} : memref<32x640xf32, #tpu.memory_space<vmem>>, vector<1x16xf32>,
      %swap3A_454 = vector.shape_cast %swap3A_453 : vector<1x16xf32> to vector<16xf32>
      %swap3A_455 = vector.shape_cast %get3A_450 : vector<16xf32> to vector<1x16xf32>
      tpu.vector_store %arg7[%swap3A_451, %swap3A_452], %swap3A_455 {strides = array<i32>} : memref<32x640xf32, #tpu.memory_space<vmem>>, vector<1x16xf32>,
      %add3A_456 = arith.constant 128 : i32
      %add3A_457 = arith.addi %add3A_456, %add3A_377 : i32
      %get3A_458 = arith.index_cast %add3A_457 : i32 to index
      %get3A_459 = arith.constant 0 : index
      %get3A_460 = tpu.vector_load %arg6[%get3A_458, %get3A_459] {strides = array<i32>} : memref<640x128xf32, #tpu.memory_space<vmem>>, vector<1x16xf32>,
      %get3A_461 = vector.shape_cast %get3A_460 : vector<1x16xf32> to vector<16xf32>
      %swap3A_462 = arith.index_cast %add3A_377 : i32 to index
      %swap3A_463 = arith.constant 128 : index
      %swap3A_464 = tpu.vector_load %arg7[%swap3A_462, %swap3A_463] {strides = array<i32>} : memref<32x640xf32, #tpu.memory_space<vmem>>, vector<1x16xf32>,
      %swap3A_465 = vector.shape_cast %swap3A_464 : vector<1x16xf32> to vector<16xf32>
      %swap3A_466 = vector.shape_cast %get3A_461 : vector<16xf32> to vector<1x16xf32>
      tpu.vector_store %arg7[%swap3A_462, %swap3A_463], %swap3A_466 {strides = array<i32>} : memref<32x640xf32, #tpu.memory_space<vmem>>, vector<1x16xf32>,
      %get3A_467 = arith.index_cast %add3A_457 : i32 to index
      %get3A_468 = arith.constant 16 : index
      %get3A_469 = tpu.vector_load %arg6[%get3A_467, %get3A_468] {strides = array<i32>} : memref<640x128xf32, #tpu.memory_space<vmem>>, vector<1x16xf32>,
      %get3A_470 = vector.shape_cast %get3A_469 : vector<1x16xf32> to vector<16xf32>
      %swap3A_471 = arith.index_cast %add3A_377 : i32 to index
      %swap3A_472 = arith.constant 144 : index
      %swap3A_473 = tpu.vector_load %arg7[%swap3A_471, %swap3A_472] {strides = array<i32>} : memref<32x640xf32, #tpu.memory_space<vmem>>, vector<1x16xf32>,
      %swap3A_474 = vector.shape_cast %swap3A_473 : vector<1x16xf32> to vector<16xf32>
      %swap3A_475 = vector.shape_cast %get3A_470 : vector<16xf32> to vector<1x16xf32>
      tpu.vector_store %arg7[%swap3A_471, %swap3A_472], %swap3A_475 {strides = array<i32>} : memref<32x640xf32, #tpu.memory_space<vmem>>, vector<1x16xf32>,
      %add3A_476 = arith.constant 160 : i32
      %add3A_477 = arith.addi %add3A_476, %add3A_377 : i32
      %get3A_478 = arith.index_cast %add3A_477 : i32 to index
      %get3A_479 = arith.constant 0 : index
      %get3A_480 = tpu.vector_load %arg6[%get3A_478, %get3A_479] {strides = array<i32>} : memref<640x128xf32, #tpu.memory_space<vmem>>, vector<1x16xf32>,
      %get3A_481 = vector.shape_cast %get3A_480 : vector<1x16xf32> to vector<16xf32>
      %swap3A_482 = arith.index_cast %add3A_377 : i32 to index
      %swap3A_483 = arith.constant 160 : index
      %swap3A_484 = tpu.vector_load %arg7[%swap3A_482, %swap3A_483] {strides = array<i32>} : memref<32x640xf32, #tpu.memory_space<vmem>>, vector<1x16xf32>,
      %swap3A_485 = vector.shape_cast %swap3A_484 : vector<1x16xf32> to vector<16xf32>
      %swap3A_486 = vector.shape_cast %get3A_481 : vector<16xf32> to vector<1x16xf32>
      tpu.vector_store %arg7[%swap3A_482, %swap3A_483], %swap3A_486 {strides = array<i32>} : memref<32x640xf32, #tpu.memory_space<vmem>>, vector<1x16xf32>,
      %get3A_487 = arith.index_cast %add3A_477 : i32 to index
      %get3A_488 = arith.constant 16 : index
      %get3A_489 = tpu.vector_load %arg6[%get3A_487, %get3A_488] {strides = array<i32>} : memref<640x128xf32, #tpu.memory_space<vmem>>, vector<1x16xf32>,
      %get3A_490 = vector.shape_cast %get3A_489 : vector<1x16xf32> to vector<16xf32>
      %swap3A_491 = arith.index_cast %add3A_377 : i32 to index
      %swap3A_492 = arith.constant 176 : index
      %swap3A_493 = tpu.vector_load %arg7[%swap3A_491, %swap3A_492] {strides = array<i32>} : memref<32x640xf32, #tpu.memory_space<vmem>>, vector<1x16xf32>,
      %swap3A_494 = vector.shape_cast %swap3A_493 : vector<1x16xf32> to vector<16xf32>
      %swap3A_495 = vector.shape_cast %get3A_490 : vector<16xf32> to vector<1x16xf32>
      tpu.vector_store %arg7[%swap3A_491, %swap3A_492], %swap3A_495 {strides = array<i32>} : memref<32x640xf32, #tpu.memory_space<vmem>>, vector<1x16xf32>,
      %add3A_496 = arith.constant 192 : i32
      %add3A_497 = arith.addi %add3A_496, %add3A_377 : i32
      %get3A_498 = arith.index_cast %add3A_497 : i32 to index
      %get3A_499 = arith.constant 0 : index
      %get3A_500 = tpu.vector_load %arg6[%get3A_498, %get3A_499] {strides = array<i32>} : memref<640x128xf32, #tpu.memory_space<vmem>>, vector<1x16xf32>,
      %get3A_501 = vector.shape_cast %get3A_500 : vector<1x16xf32> to vector<16xf32>
      %swap3A_502 = arith.index_cast %add3A_377 : i32 to index
      %swap3A_503 = arith.constant 192 : index
      %swap3A_504 = tpu.vector_load %arg7[%swap3A_502, %swap3A_503] {strides = array<i32>} : memref<32x640xf32, #tpu.memory_space<vmem>>, vector<1x16xf32>,
      %swap3A_505 = vector.shape_cast %swap3A_504 : vector<1x16xf32> to vector<16xf32>
      %swap3A_506 = vector.shape_cast %get3A_501 : vector<16xf32> to vector<1x16xf32>
      tpu.vector_store %arg7[%swap3A_502, %swap3A_503], %swap3A_506 {strides = array<i32>} : memref<32x640xf32, #tpu.memory_space<vmem>>, vector<1x16xf32>,
      %get3A_507 = arith.index_cast %add3A_497 : i32 to index
      %get3A_508 = arith.constant 16 : index
      %get3A_509 = tpu.vector_load %arg6[%get3A_507, %get3A_508] {strides = array<i32>} : memref<640x128xf32, #tpu.memory_space<vmem>>, vector<1x16xf32>,
      %get3A_510 = vector.shape_cast %get3A_509 : vector<1x16xf32> to vector<16xf32>
      %swap3A_511 = arith.index_cast %add3A_377 : i32 to index
      %swap3A_512 = arith.constant 208 : index
      %swap3A_513 = tpu.vector_load %arg7[%swap3A_511, %swap3A_512] {strides = array<i32>} : memref<32x640xf32, #tpu.memory_space<vmem>>, vector<1x16xf32>,
      %swap3A_514 = vector.shape_cast %swap3A_513 : vector<1x16xf32> to vector<16xf32>
      %swap3A_515 = vector.shape_cast %get3A_510 : vector<16xf32> to vector<1x16xf32>
      tpu.vector_store %arg7[%swap3A_511, %swap3A_512], %swap3A_515 {strides = array<i32>} : memref<32x640xf32, #tpu.memory_space<vmem>>, vector<1x16xf32>,
      %add3A_516 = arith.constant 224 : i32
      %add3A_517 = arith.addi %add3A_516, %add3A_377 : i32
      %get3A_518 = arith.index_cast %add3A_517 : i32 to index
      %get3A_519 = arith.constant 0 : index
      %get3A_520 = tpu.vector_load %arg6[%get3A_518, %get3A_519] {strides = array<i32>} : memref<640x128xf32, #tpu.memory_space<vmem>>, vector<1x16xf32>,
      %get3A_521 = vector.shape_cast %get3A_520 : vector<1x16xf32> to vector<16xf32>
      %swap3A_522 = arith.index_cast %add3A_377 : i32 to index
      %swap3A_523 = arith.constant 224 : index
      %swap3A_524 = tpu.vector_load %arg7[%swap3A_522, %swap3A_523] {strides = array<i32>} : memref<32x640xf32, #tpu.memory_space<vmem>>, vector<1x16xf32>,
      %swap3A_525 = vector.shape_cast %swap3A_524 : vector<1x16xf32> to vector<16xf32>
      %swap3A_526 = vector.shape_cast %get3A_521 : vector<16xf32> to vector<1x16xf32>
      tpu.vector_store %arg7[%swap3A_522, %swap3A_523], %swap3A_526 {strides = array<i32>} : memref<32x640xf32, #tpu.memory_space<vmem>>, vector<1x16xf32>,
      %get3A_527 = arith.index_cast %add3A_517 : i32 to index
      %get3A_528 = arith.constant 16 : index
      %get3A_529 = tpu.vector_load %arg6[%get3A_527, %get3A_528] {strides = array<i32>} : memref<640x128xf32, #tpu.memory_space<vmem>>, vector<1x16xf32>,
      %get3A_530 = vector.shape_cast %get3A_529 : vector<1x16xf32> to vector<16xf32>
      %swap3A_531 = arith.index_cast %add3A_377 : i32 to index
      %swap3A_532 = arith.constant 240 : index
      %swap3A_533 = tpu.vector_load %arg7[%swap3A_531, %swap3A_532] {strides = array<i32>} : memref<32x640xf32, #tpu.memory_space<vmem>>, vector<1x16xf32>,
      %swap3A_534 = vector.shape_cast %swap3A_533 : vector<1x16xf32> to vector<16xf32>
      %swap3A_535 = vector.shape_cast %get3A_530 : vector<16xf32> to vector<1x16xf32>
      tpu.vector_store %arg7[%swap3A_531, %swap3A_532], %swap3A_535 {strides = array<i32>} : memref<32x640xf32, #tpu.memory_space<vmem>>, vector<1x16xf32>,
      %add3A_536 = arith.constant 256 : i32
      %add3A_537 = arith.addi %add3A_536, %add3A_377 : i32
      %get3A_538 = arith.index_cast %add3A_537 : i32 to index
      %get3A_539 = arith.constant 0 : index
      %get3A_540 = tpu.vector_load %arg6[%get3A_538, %get3A_539] {strides = array<i32>} : memref<640x128xf32, #tpu.memory_space<vmem>>, vector<1x16xf32>,
      %get3A_541 = vector.shape_cast %get3A_540 : vector<1x16xf32> to vector<16xf32>
      %swap3A_542 = arith.index_cast %add3A_377 : i32 to index
      %swap3A_543 = arith.constant 256 : index
      %swap3A_544 = tpu.vector_load %arg7[%swap3A_542, %swap3A_543] {strides = array<i32>} : memref<32x640xf32, #tpu.memory_space<vmem>>, vector<1x16xf32>,
      %swap3A_545 = vector.shape_cast %swap3A_544 : vector<1x16xf32> to vector<16xf32>
      %swap3A_546 = vector.shape_cast %get3A_541 : vector<16xf32> to vector<1x16xf32>
      tpu.vector_store %arg7[%swap3A_542, %swap3A_543], %swap3A_546 {strides = array<i32>} : memref<32x640xf32, #tpu.memory_space<vmem>>, vector<1x16xf32>,
      %get3A_547 = arith.index_cast %add3A_537 : i32 to index
      %get3A_548 = arith.constant 16 : index
      %get3A_549 = tpu.vector_load %arg6[%get3A_547, %get3A_548] {strides = array<i32>} : memref<640x128xf32, #tpu.memory_space<vmem>>, vector<1x16xf32>,
      %get3A_550 = vector.shape_cast %get3A_549 : vector<1x16xf32> to vector<16xf32>
      %swap3A_551 = arith.index_cast %add3A_377 : i32 to index
      %swap3A_552 = arith.constant 272 : index
      %swap3A_553 = tpu.vector_load %arg7[%swap3A_551, %swap3A_552] {strides = array<i32>} : memref<32x640xf32, #tpu.memory_space<vmem>>, vector<1x16xf32>,
      %swap3A_554 = vector.shape_cast %swap3A_553 : vector<1x16xf32> to vector<16xf32>
      %swap3A_555 = vector.shape_cast %get3A_550 : vector<16xf32> to vector<1x16xf32>
      tpu.vector_store %arg7[%swap3A_551, %swap3A_552], %swap3A_555 {strides = array<i32>} : memref<32x640xf32, #tpu.memory_space<vmem>>, vector<1x16xf32>,
      %add3A_556 = arith.constant 288 : i32
      %add3A_557 = arith.addi %add3A_556, %add3A_377 : i32
      %get3A_558 = arith.index_cast %add3A_557 : i32 to index
      %get3A_559 = arith.constant 0 : index
      %get3A_560 = tpu.vector_load %arg6[%get3A_558, %get3A_559] {strides = array<i32>} : memref<640x128xf32, #tpu.memory_space<vmem>>, vector<1x16xf32>,
      %get3A_561 = vector.shape_cast %get3A_560 : vector<1x16xf32> to vector<16xf32>
      %swap3A_562 = arith.index_cast %add3A_377 : i32 to index
      %swap3A_563 = arith.constant 288 : index
      %swap3A_564 = tpu.vector_load %arg7[%swap3A_562, %swap3A_563] {strides = array<i32>} : memref<32x640xf32, #tpu.memory_space<vmem>>, vector<1x16xf32>,
      %swap3A_565 = vector.shape_cast %swap3A_564 : vector<1x16xf32> to vector<16xf32>
      %swap3A_566 = vector.shape_cast %get3A_561 : vector<16xf32> to vector<1x16xf32>
      tpu.vector_store %arg7[%swap3A_562, %swap3A_563], %swap3A_566 {strides = array<i32>} : memref<32x640xf32, #tpu.memory_space<vmem>>, vector<1x16xf32>,
      %get3A_567 = arith.index_cast %add3A_557 : i32 to index
      %get3A_568 = arith.constant 16 : index
      %get3A_569 = tpu.vector_load %arg6[%get3A_567, %get3A_568] {strides = array<i32>} : memref<640x128xf32, #tpu.memory_space<vmem>>, vector<1x16xf32>,
      %get3A_570 = vector.shape_cast %get3A_569 : vector<1x16xf32> to vector<16xf32>
      %swap3A_571 = arith.index_cast %add3A_377 : i32 to index
      %swap3A_572 = arith.constant 304 : index
      %swap3A_573 = tpu.vector_load %arg7[%swap3A_571, %swap3A_572] {strides = array<i32>} : memref<32x640xf32, #tpu.memory_space<vmem>>, vector<1x16xf32>,
      %swap3A_574 = vector.shape_cast %swap3A_573 : vector<1x16xf32> to vector<16xf32>
      %swap3A_575 = vector.shape_cast %get3A_570 : vector<16xf32> to vector<1x16xf32>
      tpu.vector_store %arg7[%swap3A_571, %swap3A_572], %swap3A_575 {strides = array<i32>} : memref<32x640xf32, #tpu.memory_space<vmem>>, vector<1x16xf32>,
      %add3A_576 = arith.constant 320 : i32
      %add3A_577 = arith.addi %add3A_576, %add3A_377 : i32
      %get3A_578 = arith.index_cast %add3A_577 : i32 to index
      %get3A_579 = arith.constant 0 : index
      %get3A_580 = tpu.vector_load %arg6[%get3A_578, %get3A_579] {strides = array<i32>} : memref<640x128xf32, #tpu.memory_space<vmem>>, vector<1x16xf32>,
      %get3A_581 = vector.shape_cast %get3A_580 : vector<1x16xf32> to vector<16xf32>
      %swap3A_582 = arith.index_cast %add3A_377 : i32 to index
      %swap3A_583 = arith.constant 320 : index
      %swap3A_584 = tpu.vector_load %arg7[%swap3A_582, %swap3A_583] {strides = array<i32>} : memref<32x640xf32, #tpu.memory_space<vmem>>, vector<1x16xf32>,
      %swap3A_585 = vector.shape_cast %swap3A_584 : vector<1x16xf32> to vector<16xf32>
      %swap3A_586 = vector.shape_cast %get3A_581 : vector<16xf32> to vector<1x16xf32>
      tpu.vector_store %arg7[%swap3A_582, %swap3A_583], %swap3A_586 {strides = array<i32>} : memref<32x640xf32, #tpu.memory_space<vmem>>, vector<1x16xf32>,
      %get3A_587 = arith.index_cast %add3A_577 : i32 to index
      %get3A_588 = arith.constant 16 : index
      %get3A_589 = tpu.vector_load %arg6[%get3A_587, %get3A_588] {strides = array<i32>} : memref<640x128xf32, #tpu.memory_space<vmem>>, vector<1x16xf32>,
      %get3A_590 = vector.shape_cast %get3A_589 : vector<1x16xf32> to vector<16xf32>
      %swap3A_591 = arith.index_cast %add3A_377 : i32 to index
      %swap3A_592 = arith.constant 336 : index
      %swap3A_593 = tpu.vector_load %arg7[%swap3A_591, %swap3A_592] {strides = array<i32>} : memref<32x640xf32, #tpu.memory_space<vmem>>, vector<1x16xf32>,
      %swap3A_594 = vector.shape_cast %swap3A_593 : vector<1x16xf32> to vector<16xf32>
      %swap3A_595 = vector.shape_cast %get3A_590 : vector<16xf32> to vector<1x16xf32>
      tpu.vector_store %arg7[%swap3A_591, %swap3A_592], %swap3A_595 {strides = array<i32>} : memref<32x640xf32, #tpu.memory_space<vmem>>, vector<1x16xf32>,
      %add3A_596 = arith.constant 352 : i32
      %add3A_597 = arith.addi %add3A_596, %add3A_377 : i32
      %get3A_598 = arith.index_cast %add3A_597 : i32 to index
      %get3A_599 = arith.constant 0 : index
      %get3A_600 = tpu.vector_load %arg6[%get3A_598, %get3A_599] {strides = array<i32>} : memref<640x128xf32, #tpu.memory_space<vmem>>, vector<1x16xf32>,
      %get3A_601 = vector.shape_cast %get3A_600 : vector<1x16xf32> to vector<16xf32>
      %swap3A_602 = arith.index_cast %add3A_377 : i32 to index
      %swap3A_603 = arith.constant 352 : index
      %swap3A_604 = tpu.vector_load %arg7[%swap3A_602, %swap3A_603] {strides = array<i32>} : memref<32x640xf32, #tpu.memory_space<vmem>>, vector<1x16xf32>,
      %swap3A_605 = vector.shape_cast %swap3A_604 : vector<1x16xf32> to vector<16xf32>
      %swap3A_606 = vector.shape_cast %get3A_601 : vector<16xf32> to vector<1x16xf32>
      tpu.vector_store %arg7[%swap3A_602, %swap3A_603], %swap3A_606 {strides = array<i32>} : memref<32x640xf32, #tpu.memory_space<vmem>>, vector<1x16xf32>,
      %get3A_607 = arith.index_cast %add3A_597 : i32 to index
      %get3A_608 = arith.constant 16 : index
      %get3A_609 = tpu.vector_load %arg6[%get3A_607, %get3A_608] {strides = array<i32>} : memref<640x128xf32, #tpu.memory_space<vmem>>, vector<1x16xf32>,
      %get3A_610 = vector.shape_cast %get3A_609 : vector<1x16xf32> to vector<16xf32>
      %swap3A_611 = arith.index_cast %add3A_377 : i32 to index
      %swap3A_612 = arith.constant 368 : index
      %swap3A_613 = tpu.vector_load %arg7[%swap3A_611, %swap3A_612] {strides = array<i32>} : memref<32x640xf32, #tpu.memory_space<vmem>>, vector<1x16xf32>,
      %swap3A_614 = vector.shape_cast %swap3A_613 : vector<1x16xf32> to vector<16xf32>
      %swap3A_615 = vector.shape_cast %get3A_610 : vector<16xf32> to vector<1x16xf32>
      tpu.vector_store %arg7[%swap3A_611, %swap3A_612], %swap3A_615 {strides = array<i32>} : memref<32x640xf32, #tpu.memory_space<vmem>>, vector<1x16xf32>,
      %add3A_616 = arith.constant 384 : i32
      %add3A_617 = arith.addi %add3A_616, %add3A_377 : i32
      %get3A_618 = arith.index_cast %add3A_617 : i32 to index
      %get3A_619 = arith.constant 0 : index
      %get3A_620 = tpu.vector_load %arg6[%get3A_618, %get3A_619] {strides = array<i32>} : memref<640x128xf32, #tpu.memory_space<vmem>>, vector<1x16xf32>,
      %get3A_621 = vector.shape_cast %get3A_620 : vector<1x16xf32> to vector<16xf32>
      %swap3A_622 = arith.index_cast %add3A_377 : i32 to index
      %swap3A_623 = arith.constant 384 : index
      %swap3A_624 = tpu.vector_load %arg7[%swap3A_622, %swap3A_623] {strides = array<i32>} : memref<32x640xf32, #tpu.memory_space<vmem>>, vector<1x16xf32>,
      %swap3A_625 = vector.shape_cast %swap3A_624 : vector<1x16xf32> to vector<16xf32>
      %swap3A_626 = vector.shape_cast %get3A_621 : vector<16xf32> to vector<1x16xf32>
      tpu.vector_store %arg7[%swap3A_622, %swap3A_623], %swap3A_626 {strides = array<i32>} : memref<32x640xf32, #tpu.memory_space<vmem>>, vector<1x16xf32>,
      %get3A_627 = arith.index_cast %add3A_617 : i32 to index
      %get3A_628 = arith.constant 16 : index
      %get3A_629 = tpu.vector_load %arg6[%get3A_627, %get3A_628] {strides = array<i32>} : memref<640x128xf32, #tpu.memory_space<vmem>>, vector<1x16xf32>,
      %get3A_630 = vector.shape_cast %get3A_629 : vector<1x16xf32> to vector<16xf32>
      %swap3A_631 = arith.index_cast %add3A_377 : i32 to index
      %swap3A_632 = arith.constant 400 : index
      %swap3A_633 = tpu.vector_load %arg7[%swap3A_631, %swap3A_632] {strides = array<i32>} : memref<32x640xf32, #tpu.memory_space<vmem>>, vector<1x16xf32>,
      %swap3A_634 = vector.shape_cast %swap3A_633 : vector<1x16xf32> to vector<16xf32>
      %swap3A_635 = vector.shape_cast %get3A_630 : vector<16xf32> to vector<1x16xf32>
      tpu.vector_store %arg7[%swap3A_631, %swap3A_632], %swap3A_635 {strides = array<i32>} : memref<32x640xf32, #tpu.memory_space<vmem>>, vector<1x16xf32>,
      %add3A_636 = arith.constant 416 : i32
      %add3A_637 = arith.addi %add3A_636, %add3A_377 : i32
      %get3A_638 = arith.index_cast %add3A_637 : i32 to index
      %get3A_639 = arith.constant 0 : index
      %get3A_640 = tpu.vector_load %arg6[%get3A_638, %get3A_639] {strides = array<i32>} : memref<640x128xf32, #tpu.memory_space<vmem>>, vector<1x16xf32>,
      %get3A_641 = vector.shape_cast %get3A_640 : vector<1x16xf32> to vector<16xf32>
      %swap3A_642 = arith.index_cast %add3A_377 : i32 to index
      %swap3A_643 = arith.constant 416 : index
      %swap3A_644 = tpu.vector_load %arg7[%swap3A_642, %swap3A_643] {strides = array<i32>} : memref<32x640xf32, #tpu.memory_space<vmem>>, vector<1x16xf32>,
      %swap3A_645 = vector.shape_cast %swap3A_644 : vector<1x16xf32> to vector<16xf32>
      %swap3A_646 = vector.shape_cast %get3A_641 : vector<16xf32> to vector<1x16xf32>
      tpu.vector_store %arg7[%swap3A_642, %swap3A_643], %swap3A_646 {strides = array<i32>} : memref<32x640xf32, #tpu.memory_space<vmem>>, vector<1x16xf32>,
      %get3A_647 = arith.index_cast %add3A_637 : i32 to index
      %get3A_648 = arith.constant 16 : index
      %get3A_649 = tpu.vector_load %arg6[%get3A_647, %get3A_648] {strides = array<i32>} : memref<640x128xf32, #tpu.memory_space<vmem>>, vector<1x16xf32>,
      %get3A_650 = vector.shape_cast %get3A_649 : vector<1x16xf32> to vector<16xf32>
      %swap3A_651 = arith.index_cast %add3A_377 : i32 to index
      %swap3A_652 = arith.constant 432 : index
      %swap3A_653 = tpu.vector_load %arg7[%swap3A_651, %swap3A_652] {strides = array<i32>} : memref<32x640xf32, #tpu.memory_space<vmem>>, vector<1x16xf32>,
      %swap3A_654 = vector.shape_cast %swap3A_653 : vector<1x16xf32> to vector<16xf32>
      %swap3A_655 = vector.shape_cast %get3A_650 : vector<16xf32> to vector<1x16xf32>
      tpu.vector_store %arg7[%swap3A_651, %swap3A_652], %swap3A_655 {strides = array<i32>} : memref<32x640xf32, #tpu.memory_space<vmem>>, vector<1x16xf32>,
      %add3A_656 = arith.constant 448 : i32
      %add3A_657 = arith.addi %add3A_656, %add3A_377 : i32
      %get3A_658 = arith.index_cast %add3A_657 : i32 to index
      %get3A_659 = arith.constant 0 : index
      %get3A_660 = tpu.vector_load %arg6[%get3A_658, %get3A_659] {strides = array<i32>} : memref<640x128xf32, #tpu.memory_space<vmem>>, vector<1x16xf32>,
      %get3A_661 = vector.shape_cast %get3A_660 : vector<1x16xf32> to vector<16xf32>
      %swap3A_662 = arith.index_cast %add3A_377 : i32 to index
      %swap3A_663 = arith.constant 448 : index
      %swap3A_664 = tpu.vector_load %arg7[%swap3A_662, %swap3A_663] {strides = array<i32>} : memref<32x640xf32, #tpu.memory_space<vmem>>, vector<1x16xf32>,
      %swap3A_665 = vector.shape_cast %swap3A_664 : vector<1x16xf32> to vector<16xf32>
      %swap3A_666 = vector.shape_cast %get3A_661 : vector<16xf32> to vector<1x16xf32>
      tpu.vector_store %arg7[%swap3A_662, %swap3A_663], %swap3A_666 {strides = array<i32>} : memref<32x640xf32, #tpu.memory_space<vmem>>, vector<1x16xf32>,
      %get3A_667 = arith.index_cast %add3A_657 : i32 to index
      %get3A_668 = arith.constant 16 : index
      %get3A_669 = tpu.vector_load %arg6[%get3A_667, %get3A_668] {strides = array<i32>} : memref<640x128xf32, #tpu.memory_space<vmem>>, vector<1x16xf32>,
      %get3A_670 = vector.shape_cast %get3A_669 : vector<1x16xf32> to vector<16xf32>
      %swap3A_671 = arith.index_cast %add3A_377 : i32 to index
      %swap3A_672 = arith.constant 464 : index
      %swap3A_673 = tpu.vector_load %arg7[%swap3A_671, %swap3A_672] {strides = array<i32>} : memref<32x640xf32, #tpu.memory_space<vmem>>, vector<1x16xf32>,
      %swap3A_674 = vector.shape_cast %swap3A_673 : vector<1x16xf32> to vector<16xf32>
      %swap3A_675 = vector.shape_cast %get3A_670 : vector<16xf32> to vector<1x16xf32>
      tpu.vector_store %arg7[%swap3A_671, %swap3A_672], %swap3A_675 {strides = array<i32>} : memref<32x640xf32, #tpu.memory_space<vmem>>, vector<1x16xf32>,
      %add3A_676 = arith.constant 480 : i32
      %add3A_677 = arith.addi %add3A_676, %add3A_377 : i32
      %get3A_678 = arith.index_cast %add3A_677 : i32 to index
      %get3A_679 = arith.constant 0 : index
      %get3A_680 = tpu.vector_load %arg6[%get3A_678, %get3A_679] {strides = array<i32>} : memref<640x128xf32, #tpu.memory_space<vmem>>, vector<1x16xf32>,
      %get3A_681 = vector.shape_cast %get3A_680 : vector<1x16xf32> to vector<16xf32>
      %swap3A_682 = arith.index_cast %add3A_377 : i32 to index
      %swap3A_683 = arith.constant 480 : index
      %swap3A_684 = tpu.vector_load %arg7[%swap3A_682, %swap3A_683] {strides = array<i32>} : memref<32x640xf32, #tpu.memory_space<vmem>>, vector<1x16xf32>,
      %swap3A_685 = vector.shape_cast %swap3A_684 : vector<1x16xf32> to vector<16xf32>
      %swap3A_686 = vector.shape_cast %get3A_681 : vector<16xf32> to vector<1x16xf32>
      tpu.vector_store %arg7[%swap3A_682, %swap3A_683], %swap3A_686 {strides = array<i32>} : memref<32x640xf32, #tpu.memory_space<vmem>>, vector<1x16xf32>,
      %get3A_687 = arith.index_cast %add3A_677 : i32 to index
      %get3A_688 = arith.constant 16 : index
      %get3A_689 = tpu.vector_load %arg6[%get3A_687, %get3A_688] {strides = array<i32>} : memref<640x128xf32, #tpu.memory_space<vmem>>, vector<1x16xf32>,
      %get3A_690 = vector.shape_cast %get3A_689 : vector<1x16xf32> to vector<16xf32>
      %swap3A_691 = arith.index_cast %add3A_377 : i32 to index
      %swap3A_692 = arith.constant 496 : index
      %swap3A_693 = tpu.vector_load %arg7[%swap3A_691, %swap3A_692] {strides = array<i32>} : memref<32x640xf32, #tpu.memory_space<vmem>>, vector<1x16xf32>,
      %swap3A_694 = vector.shape_cast %swap3A_693 : vector<1x16xf32> to vector<16xf32>
      %swap3A_695 = vector.shape_cast %get3A_690 : vector<16xf32> to vector<1x16xf32>
      tpu.vector_store %arg7[%swap3A_691, %swap3A_692], %swap3A_695 {strides = array<i32>} : memref<32x640xf32, #tpu.memory_space<vmem>>, vector<1x16xf32>,
      %add3A_696 = arith.constant 512 : i32
      %add3A_697 = arith.addi %add3A_696, %add3A_377 : i32
      %get3A_698 = arith.index_cast %add3A_697 : i32 to index
      %get3A_699 = arith.constant 0 : index
      %get3A_700 = tpu.vector_load %arg6[%get3A_698, %get3A_699] {strides = array<i32>} : memref<640x128xf32, #tpu.memory_space<vmem>>, vector<1x16xf32>,
      %get3A_701 = vector.shape_cast %get3A_700 : vector<1x16xf32> to vector<16xf32>
      %swap3A_702 = arith.index_cast %add3A_377 : i32 to index
      %swap3A_703 = arith.constant 512 : index
      %swap3A_704 = tpu.vector_load %arg7[%swap3A_702, %swap3A_703] {strides = array<i32>} : memref<32x640xf32, #tpu.memory_space<vmem>>, vector<1x16xf32>,
      %swap3A_705 = vector.shape_cast %swap3A_704 : vector<1x16xf32> to vector<16xf32>
      %swap3A_706 = vector.shape_cast %get3A_701 : vector<16xf32> to vector<1x16xf32>
      tpu.vector_store %arg7[%swap3A_702, %swap3A_703], %swap3A_706 {strides = array<i32>} : memref<32x640xf32, #tpu.memory_space<vmem>>, vector<1x16xf32>,
      %get3A_707 = arith.index_cast %add3A_697 : i32 to index
      %get3A_708 = arith.constant 16 : index
      %get3A_709 = tpu.vector_load %arg6[%get3A_707, %get3A_708] {strides = array<i32>} : memref<640x128xf32, #tpu.memory_space<vmem>>, vector<1x16xf32>,
      %get3A_710 = vector.shape_cast %get3A_709 : vector<1x16xf32> to vector<16xf32>
      %swap3A_711 = arith.index_cast %add3A_377 : i32 to index
      %swap3A_712 = arith.constant 528 : index
      %swap3A_713 = tpu.vector_load %arg7[%swap3A_711, %swap3A_712] {strides = array<i32>} : memref<32x640xf32, #tpu.memory_space<vmem>>, vector<1x16xf32>,
      %swap3A_714 = vector.shape_cast %swap3A_713 : vector<1x16xf32> to vector<16xf32>
      %swap3A_715 = vector.shape_cast %get3A_710 : vector<16xf32> to vector<1x16xf32>
      tpu.vector_store %arg7[%swap3A_711, %swap3A_712], %swap3A_715 {strides = array<i32>} : memref<32x640xf32, #tpu.memory_space<vmem>>, vector<1x16xf32>,
      %add3A_716 = arith.constant 544 : i32
      %add3A_717 = arith.addi %add3A_716, %add3A_377 : i32
      %get3A_718 = arith.index_cast %add3A_717 : i32 to index
      %get3A_719 = arith.constant 0 : index
      %get3A_720 = tpu.vector_load %arg6[%get3A_718, %get3A_719] {strides = array<i32>} : memref<640x128xf32, #tpu.memory_space<vmem>>, vector<1x16xf32>,
      %get3A_721 = vector.shape_cast %get3A_720 : vector<1x16xf32> to vector<16xf32>
      %swap3A_722 = arith.index_cast %add3A_377 : i32 to index
      %swap3A_723 = arith.constant 544 : index
      %swap3A_724 = tpu.vector_load %arg7[%swap3A_722, %swap3A_723] {strides = array<i32>} : memref<32x640xf32, #tpu.memory_space<vmem>>, vector<1x16xf32>,
      %swap3A_725 = vector.shape_cast %swap3A_724 : vector<1x16xf32> to vector<16xf32>
      %swap3A_726 = vector.shape_cast %get3A_721 : vector<16xf32> to vector<1x16xf32>
      tpu.vector_store %arg7[%swap3A_722, %swap3A_723], %swap3A_726 {strides = array<i32>} : memref<32x640xf32, #tpu.memory_space<vmem>>, vector<1x16xf32>,
      %get3A_727 = arith.index_cast %add3A_717 : i32 to index
      %get3A_728 = arith.constant 16 : index
      %get3A_729 = tpu.vector_load %arg6[%get3A_727, %get3A_728] {strides = array<i32>} : memref<640x128xf32, #tpu.memory_space<vmem>>, vector<1x16xf32>,
      %get3A_730 = vector.shape_cast %get3A_729 : vector<1x16xf32> to vector<16xf32>
      %swap3A_731 = arith.index_cast %add3A_377 : i32 to index
      %swap3A_732 = arith.constant 560 : index
      %swap3A_733 = tpu.vector_load %arg7[%swap3A_731, %swap3A_732] {strides = array<i32>} : memref<32x640xf32, #tpu.memory_space<vmem>>, vector<1x16xf32>,
      %swap3A_734 = vector.shape_cast %swap3A_733 : vector<1x16xf32> to vector<16xf32>
      %swap3A_735 = vector.shape_cast %get3A_730 : vector<16xf32> to vector<1x16xf32>
      tpu.vector_store %arg7[%swap3A_731, %swap3A_732], %swap3A_735 {strides = array<i32>} : memref<32x640xf32, #tpu.memory_space<vmem>>, vector<1x16xf32>,
      %add3A_736 = arith.constant 576 : i32
      %add3A_737 = arith.addi %add3A_736, %add3A_377 : i32
      %get3A_738 = arith.index_cast %add3A_737 : i32 to index
      %get3A_739 = arith.constant 0 : index
      %get3A_740 = tpu.vector_load %arg6[%get3A_738, %get3A_739] {strides = array<i32>} : memref<640x128xf32, #tpu.memory_space<vmem>>, vector<1x16xf32>,
      %get3A_741 = vector.shape_cast %get3A_740 : vector<1x16xf32> to vector<16xf32>
      %swap3A_742 = arith.index_cast %add3A_377 : i32 to index
      %swap3A_743 = arith.constant 576 : index
      %swap3A_744 = tpu.vector_load %arg7[%swap3A_742, %swap3A_743] {strides = array<i32>} : memref<32x640xf32, #tpu.memory_space<vmem>>, vector<1x16xf32>,
      %swap3A_745 = vector.shape_cast %swap3A_744 : vector<1x16xf32> to vector<16xf32>
      %swap3A_746 = vector.shape_cast %get3A_741 : vector<16xf32> to vector<1x16xf32>
      tpu.vector_store %arg7[%swap3A_742, %swap3A_743], %swap3A_746 {strides = array<i32>} : memref<32x640xf32, #tpu.memory_space<vmem>>, vector<1x16xf32>,
      %get3A_747 = arith.index_cast %add3A_737 : i32 to index
      %get3A_748 = arith.constant 16 : index
      %get3A_749 = tpu.vector_load %arg6[%get3A_747, %get3A_748] {strides = array<i32>} : memref<640x128xf32, #tpu.memory_space<vmem>>, vector<1x16xf32>,
      %get3A_750 = vector.shape_cast %get3A_749 : vector<1x16xf32> to vector<16xf32>
      %swap3A_751 = arith.index_cast %add3A_377 : i32 to index
      %swap3A_752 = arith.constant 592 : index
      %swap3A_753 = tpu.vector_load %arg7[%swap3A_751, %swap3A_752] {strides = array<i32>} : memref<32x640xf32, #tpu.memory_space<vmem>>, vector<1x16xf32>,
      %swap3A_754 = vector.shape_cast %swap3A_753 : vector<1x16xf32> to vector<16xf32>
      %swap3A_755 = vector.shape_cast %get3A_750 : vector<16xf32> to vector<1x16xf32>
      tpu.vector_store %arg7[%swap3A_751, %swap3A_752], %swap3A_755 {strides = array<i32>} : memref<32x640xf32, #tpu.memory_space<vmem>>, vector<1x16xf32>,
      %add3A_756 = arith.constant 608 : i32
      %add3A_757 = arith.addi %add3A_756, %add3A_377 : i32
      %get3A_758 = arith.index_cast %add3A_757 : i32 to index
      %get3A_759 = arith.constant 0 : index
      %get3A_760 = tpu.vector_load %arg6[%get3A_758, %get3A_759] {strides = array<i32>} : memref<640x128xf32, #tpu.memory_space<vmem>>, vector<1x16xf32>,
      %get3A_761 = vector.shape_cast %get3A_760 : vector<1x16xf32> to vector<16xf32>
      %swap3A_762 = arith.index_cast %add3A_377 : i32 to index
      %swap3A_763 = arith.constant 608 : index
      %swap3A_764 = tpu.vector_load %arg7[%swap3A_762, %swap3A_763] {strides = array<i32>} : memref<32x640xf32, #tpu.memory_space<vmem>>, vector<1x16xf32>,
      %swap3A_765 = vector.shape_cast %swap3A_764 : vector<1x16xf32> to vector<16xf32>
      %swap3A_766 = vector.shape_cast %get3A_761 : vector<16xf32> to vector<1x16xf32>
      tpu.vector_store %arg7[%swap3A_762, %swap3A_763], %swap3A_766 {strides = array<i32>} : memref<32x640xf32, #tpu.memory_space<vmem>>, vector<1x16xf32>,
      %get3A_767 = arith.index_cast %add3A_757 : i32 to index
      %get3A_768 = arith.constant 16 : index
      %get3A_769 = tpu.vector_load %arg6[%get3A_767, %get3A_768] {strides = array<i32>} : memref<640x128xf32, #tpu.memory_space<vmem>>, vector<1x16xf32>,
      %get3A_770 = vector.shape_cast %get3A_769 : vector<1x16xf32> to vector<16xf32>
      %swap3A_771 = arith.index_cast %add3A_377 : i32 to index
      %swap3A_772 = arith.constant 624 : index
      %swap3A_773 = tpu.vector_load %arg7[%swap3A_771, %swap3A_772] {strides = array<i32>} : memref<32x640xf32, #tpu.memory_space<vmem>>, vector<1x16xf32>,
      %swap3A_774 = vector.shape_cast %swap3A_773 : vector<1x16xf32> to vector<16xf32>
      %swap3A_775 = vector.shape_cast %get3A_770 : vector<16xf32> to vector<1x16xf32>
      tpu.vector_store %arg7[%swap3A_771, %swap3A_772], %swap3A_775 {strides = array<i32>} : memref<32x640xf32, #tpu.memory_space<vmem>>, vector<1x16xf32>,
    }
    %scan3A_372 = arith.constant 32 : i32
    "tpu.region"() ({
      %run_scoped3A = tpu.sem_alloc : memref<!tpu.dma_semaphore, #tpu.memory_space<semaphore_mem>>
      %dma_start3A_373 = arith.constant 0 : i32
      %dma_start3A_374 = tpu.memref_slice %arg4[%mul3A_2, %dma_start3A_373] : memref<1024x640xf32, #tpu.memory_space<hbm>> -> memref<32x640xf32, #tpu.memory_space<hbm>>
      %dma_start3A_375 = arith.constant 0 : i32
      %dma_start3A_376 = tpu.memref_slice %arg4[%mul3A_2, %dma_start3A_375] : memref<1024x640xf32, #tpu.memory_space<hbm>> -> memref<32x640xf32, #tpu.memory_space<hbm>>
      tpu.enqueue_dma source(%arg7 : memref<32x640xf32, #tpu.memory_space<vmem>>) target(%dma_start3A_376 : memref<32x640xf32, #tpu.memory_space<hbm>>) target_semaphore(%run_scoped3A : memref<!tpu.dma_semaphore, #tpu.memory_space<semaphore_mem>>)
      %dma_wait3A_377 = arith.constant 0 : i32
      %dma_wait3A_378 = tpu.memref_slice %arg4[%mul3A_2, %dma_wait3A_377] : memref<1024x640xf32, #tpu.memory_space<hbm>> -> memref<32x640xf32, #tpu.memory_space<hbm>>
      %dma_wait3A_379 = arith.constant 0 : i32
      %dma_wait3A_380 = tpu.memref_slice %arg4[%mul3A_2, %dma_wait3A_379] : memref<1024x640xf32, #tpu.memory_space<hbm>> -> memref<32x640xf32, #tpu.memory_space<hbm>>
      tpu.wait_dma2 semaphore(%run_scoped3A : memref<!tpu.dma_semaphore, #tpu.memory_space<semaphore_mem>>) src(%arg7 : memref<32x640xf32, #tpu.memory_space<vmem>>) dst(%dma_wait3A_380 : memref<32x640xf32, #tpu.memory_space<hbm>>)
      tpu.yield
    }) : () -> ()
    return
  }
}

module attributes {stable_mosaic.version = 14 : i64} {
  func.func @_mm_body(%arg0: i32, %arg1: memref<1024x640xf32, #tpu.memory_space<vmem>>, %arg2: memref<2000x640xf32, #tpu.memory_space<vmem>>, %arg3: memref<2x1x1000xf32, #tpu.memory_space<vmem>>, %arg4: memref<2x1000x1024xf32, #tpu.memory_space<vmem>>, %arg5: memref<1024x640xbf16, #tpu.memory_space<vmem>>) attributes {dimension_semantics = [#tpu.dimension_semantics<arbitrary>], iteration_bounds = array<i64: 10>, scalar_prefetch = 0 : i64, scratch_operands = 1 : i64, tpu.core_type = #tpu.core_type<tc>, window_params = [{pipeline_mode = #tpu.pipeline_mode<synchronous>, transform_indices = @transform_0, window_bounds = array<i64: 1024, 640>}, {transform_indices = @transform_1, window_bounds = array<i64: 2000, 640>}, {transform_indices = @transform_2, window_bounds = array<i64: 2, 1, 1000>}, {transform_indices = @transform_3, window_bounds = array<i64: 2, 1000, 1024>}]} {
    %eq3A = arith.constant 0 : i32
    %eq3A_0 = arith.cmpi eq, %arg0, %eq3A : i32
    %convert_element_type3A = arith.extui %eq3A_0 : i1 to i32
    %cond3A = arith.constant 0 : i32
    %cond3A_1 = arith.cmpi ne, %convert_element_type3A, %cond3A : i32
    scf.if %cond3A_1 {
      %get3A_35 = arith.constant 0 : index
      %get3A_36 = arith.constant 0 : index
      %get3A_37 = vector.load %arg1[%get3A_35, %get3A_36] : memref<1024x640xf32, #tpu.memory_space<vmem>>, vector<1024x640xf32>
      %convert_element_type3A_38 = arith.truncf %get3A_37 : vector<1024x640xf32> to vector<1024x640xbf16>
      %swap3A_39 = arith.constant 0 : index
      %swap3A_40 = arith.constant 0 : index
      %swap3A_41 = vector.load %arg5[%swap3A_39, %swap3A_40] : memref<1024x640xbf16, #tpu.memory_space<vmem>>, vector<1024x640xbf16>
      tpu.vector_store %arg5[%swap3A_39, %swap3A_40], %convert_element_type3A_38 {strides = array<i32>} : memref<1024x640xbf16, #tpu.memory_space<vmem>>, vector<1024x640xbf16>,
    } else {
    }
    %get3A = arith.constant 0 : index
    %get3A_2 = arith.constant 0 : index
    %get3A_3 = vector.load %arg2[%get3A, %get3A_2] : memref<2000x640xf32, #tpu.memory_space<vmem>>, vector<2000x640xf32>
    %convert_element_type3A_4 = arith.truncf %get3A_3 : vector<2000x640xf32> to vector<2000x640xbf16>
    %get3A_5 = arith.constant 0 : index
    %get3A_6 = arith.constant 0 : index
    %get3A_7 = vector.load %arg5[%get3A_5, %get3A_6] : memref<1024x640xbf16, #tpu.memory_space<vmem>>, vector<1024x640xbf16>
    %dot_general3A = arith.constant dense<0.000000e+00> : vector<2000x1024xf32>
    %dot_general3A_8 = tpu.matmul %convert_element_type3A_4, %get3A_7, %dot_general3A {dimension_numbers = #tpu.dot_dimension_numbers<[1], [1], [0], [0], [0, 0, 1, 0], [], []>, transpose_lhs_hint = false} : vector<2000x640xbf16>, vector<1024x640xbf16>, vector<2000x1024xf32> -> vector<2000x1024xf32>
    %get3A_9 = arith.constant 0 : index
    %get3A_10 = arith.constant 0 : index
    %get3A_11 = arith.constant 0 : index
    %get3A_12 = vector.load %arg3[%get3A_9, %get3A_10, %get3A_11] : memref<2x1x1000xf32, #tpu.memory_space<vmem>>, vector<1x1x1000xf32>
    %get3A_13 = vector.shape_cast %get3A_12 : vector<1x1x1000xf32> to vector<1x1000xf32>
    %reshape3A = vector.shape_cast %get3A_13 : vector<1x1000xf32> to vector<1000x1xf32>
    %slice3A = vector.extract_strided_slice %dot_general3A_8 {offsets = [0, 0], sizes = [1000, 1024], strides = [1, 1]} : vector<2000x1024xf32> to vector<1000x1024xf32>
    %add3A = vector.broadcast %reshape3A : vector<1000x1xf32> to vector<1000x1024xf32>
    %add3A_14 = arith.addf %slice3A, %add3A : vector<1000x1024xf32>
    %swap3A = arith.constant 0 : index
    %swap3A_15 = arith.constant 0 : index
    %swap3A_16 = arith.constant 0 : index
    %swap3A_17 = vector.load %arg4[%swap3A, %swap3A_15, %swap3A_16] : memref<2x1000x1024xf32, #tpu.memory_space<vmem>>, vector<1x1000x1024xf32>
    %swap3A_18 = vector.shape_cast %swap3A_17 : vector<1x1000x1024xf32> to vector<1000x1024xf32>
    %swap3A_19 = vector.shape_cast %add3A_14 : vector<1000x1024xf32> to vector<1x1000x1024xf32>
    tpu.vector_store %arg4[%swap3A, %swap3A_15, %swap3A_16], %swap3A_19 {strides = array<i32>} : memref<2x1000x1024xf32, #tpu.memory_space<vmem>>, vector<1x1000x1024xf32>,
    %get3A_20 = arith.constant 1 : index
    %get3A_21 = arith.constant 0 : index
    %get3A_22 = arith.constant 0 : index
    %get3A_23 = vector.load %arg3[%get3A_20, %get3A_21, %get3A_22] : memref<2x1x1000xf32, #tpu.memory_space<vmem>>, vector<1x1x1000xf32>
    %get3A_24 = vector.shape_cast %get3A_23 : vector<1x1x1000xf32> to vector<1x1000xf32>
    %reshape3A_25 = vector.shape_cast %get3A_24 : vector<1x1000xf32> to vector<1000x1xf32>
    %slice3A_26 = vector.extract_strided_slice %dot_general3A_8 {offsets = [1000, 0], sizes = [1000, 1024], strides = [1, 1]} : vector<2000x1024xf32> to vector<1000x1024xf32>
    %add3A_27 = vector.broadcast %reshape3A_25 : vector<1000x1xf32> to vector<1000x1024xf32>
    %add3A_28 = arith.addf %slice3A_26, %add3A_27 : vector<1000x1024xf32>
    %swap3A_29 = arith.constant 1 : index
    %swap3A_30 = arith.constant 0 : index
    %swap3A_31 = arith.constant 0 : index
    %swap3A_32 = vector.load %arg4[%swap3A_29, %swap3A_30, %swap3A_31] : memref<2x1000x1024xf32, #tpu.memory_space<vmem>>, vector<1x1000x1024xf32>
    %swap3A_33 = vector.shape_cast %swap3A_32 : vector<1x1000x1024xf32> to vector<1000x1024xf32>
    %swap3A_34 = vector.shape_cast %add3A_28 : vector<1000x1024xf32> to vector<1x1000x1024xf32>
    tpu.vector_store %arg4[%swap3A_29, %swap3A_30, %swap3A_31], %swap3A_34 {strides = array<i32>} : memref<2x1000x1024xf32, #tpu.memory_space<vmem>>, vector<1x1000x1024xf32>,
    return
  }
  func.func @transform_0(%arg0: i32) -> (i32, i32) {
    %c0_i32 = arith.constant 0 : i32
    %c0_i32_0 = arith.constant 0 : i32
    %c0_i32_1 = arith.constant 0 : i32
    return %c0_i32, %c0_i32_0 : i32, i32
  }
  func.func @transform_1(%arg0: i32) -> (i32, i32) {
    %c0_i32 = arith.constant 0 : i32
    %c0_i32_0 = arith.constant 0 : i32
    return %arg0, %c0_i32 : i32, i32
  }
  func.func @transform_2(%arg0: i32) -> (i32, i32, i32) {
    %c0_i32 = arith.constant 0 : i32
    %c0_i32_0 = arith.constant 0 : i32
    %c0_i32_1 = arith.constant 0 : i32
    return %arg0, %c0_i32, %c0_i32_0 : i32, i32, i32
  }
  func.func @transform_3(%arg0: i32) -> (i32, i32, i32) {
    %c0_i32 = arith.constant 0 : i32
    %c0_i32_0 = arith.constant 0 : i32
    %c0_i32_1 = arith.constant 0 : i32
    return %arg0, %c0_i32, %c0_i32_0 : i32, i32, i32
  }
}

</mosaic_0001>

<sc_bundles>
// kernel: kernel.4.cloned.1.call-start
scs
__scs_entry_jumppad:
0x0: {  	(pc) =	sbr.rel $0x88, $3  }
0x1: {  	(tag) =	ssettag $0x0;
	lr =	simm.s32 $0x1  }
0x2: {  	[smem:$0x3F9D] =	sst lr;
	_ =	strace $0xD0000000  }
0x3: {  	_ = 	snop  }
0x4: {  	_ = 	snop  }
0x5: {  	_ = 	snop  }
0x6: {  	_ = 	snop  }
0x7: {  	_ = 	snop  }
__scs_overlays_trampoline_lowered:
0x8: {  	[smem:$0x3FAC] =	sst s0  }
0x9: {  	[smem:$0x3FAD] =	sst s1  }
0xa: {  	[smem:$0x3FAE] =	sst s2  }
0xb: {  	[smem:$0x3FAF] =	sst s3  }
0xc: {  	[smem:$0x3FB0] =	sst s4  }
0xd: {  	[smem:$0x3FB1] =	sst s5  }
0xe: {  	[smem:$0x3FB2] =	sst s6  }
0xf: {  	[smem:$0x3FB3] =	sst s7  }
0x10: {  	[smem:$0x3FB4] =	sst s8  }
0x11: {  	[smem:$0x3FB5] =	sst s9;
	s0 =	simm.s32 @!p0 $0x0  }
0x12: {  	s1 =	sld [smem:$0x3F9B];
	s0 =	simm.s32 @p0 $0x1  }
0x13: {  	[smem:$0x3FB6] =	sst s0;
	s0 =	simm.s32 @!p1 $0x0  }
0x14: {  	s2 =	sld [smem:$0x3F9A];
	s0 =	simm.s32 @p1 $0x1  }
0x15: {  	[smem:$0x3FB7] =	sst s0;
	s0 =	simm.s32 @!p2 $0x0  }
0x16: {  	s3 =	sld [smem:$0x3FDB];
	s0 =	simm.s32 @p2 $0x1  }
0x17: {  	s4 =	simm.s32 $0x1BF5;
	[smem:$0x3FB9] =	sst s0  }
0x18: {  	s0 =	sld [smem:$0x3F9C];
	_ =	swait.ge [sflag:s4], $0x0  }
0x19: {  	s7 =	sld [smem:$0x3F9D]  }
0x1a: {  	s8 =	sadd.s32 $0xFFFFE003, lr  }
0x1b: {  	s9 =	sadd.s32 $0xFFFFFEF7, lr;
	s5 =	simm.s32 $0xFFFFFFFF;
	p2 =	slt.u32 s8, $0xFFFFF086  }
0x1c: {  	p1 =	slt.u32 s9, $0xF7A;
	s5 =	simm.s32 @!p2 $0x0  }
0x1d: {  	s5 =	simm.s32 @p1 $0x1;
	p0 =	seq.s32 s7, s2  }
0x1e: {  	s7 =	smul.u32 @!p0 $0xF7A, s2;
	p2 =	seq.s32 @!p0 s5, $0x0  }
0x1f: {  	s9 =	smul.u32 $0xF7A, s1;
	s8 =	simm.s32 @!p0 $0x1BF5;
	p2 =	por !p2, p0  }
0x20: {  	[sflag:s8] =	ssyncset.s32 @!p0 $0xFFFFF086;
	s6 =	sadd.s32 @!p0 s3, s7;
	s7 =	simm.s32 @!p0 $0x108  }
0x21: {  	s3 =	sadd.s32 s3, s9;
	s6 =	sadd.s32 @!p0 $0x88, s6;
	s7 =	simm.s32 @p2 $0x1082  }
0x22: {  	[simem:s7], [sflag:s8] =	dma.local @!p0 [hbm:s6], $0xF7A  }
0x23: {  	s9 =	sor.u32 $0xD0000000, s2;
	s6 =	simm.s32 $0x108;
	_ =	swait.ge @!p0 [sflag:s8], $0x0  }
0x24: {  	s3 =	sadd.s32 $0x88, s3;
	s6 =	simm.s32 @!p1 $0x1082;
	[sflag:s4] =	ssyncset.s32 $0xFFFFF086  }
0x25: {  	[simem:s6], [sflag:s4] =	dma.local [hbm:s3], $0xF7A  }
0x26: {  	[smem:$0x3F9D] =	sst s1;
	(tag) =	ssettag s2;
	_ =	strace s9  }
0x27: {  	s1 =	sld [smem:$0x3FAD]  }
0x28: {  	s2 =	sld [smem:$0x3FAE]  }
0x29: {  	s4 =	sld [smem:$0x3FB0]  }
0x2a: {  	p0 =	seq.s32 s5, $0x0;
	s5 =	sld [smem:$0x3FB1]  }
0x2b: {  	s6 =	sld [smem:$0x3FB2]  }
0x2c: {  	s7 =	sld [smem:$0x3FB3]  }
0x2d: {  	s3 =	simm.s32 $0x108;
	s8 =	sld [smem:$0x3FB4]  }
0x2e: {  	s3 =	simm.s32 @!p0 $0x1082;
	s9 =	sld [smem:$0x3FB5]  }
0x2f: {  	lr =	sadd.s32 s0, s3;
	s0 =	sld [smem:$0x3FAC]  }
0x30: {  	s3 =	sld [smem:$0x3FAF]  }
0x31: {  	[smem:$0x3FB8] =	sst s10  }
0x32: {  	s10 =	sld [smem:$0x3FB6];
	_ =	sdelay $0x3  }
0x33: {  	p0 =	seq.s32 s10, $0x1;
	s10 =	sld [smem:$0x3FB8];
	_ =	sdelay $0x3  }
0x34: {  	[smem:$0x3FB8] =	sst s10  }
0x35: {  	s10 =	sld [smem:$0x3FB7];
	_ =	sdelay $0x3  }
0x36: {  	p1 =	seq.s32 s10, $0x1;
	s10 =	sld [smem:$0x3FB8];
	_ =	sdelay $0x3  }
0x37: {  	[smem:$0x3FB8] =	sst s10  }
0x38: {  	s10 =	sld [smem:$0x3FB9]  }
0x39: {  	_ = 	snop;
	(pc) =	sbr.ind lr, $3  }
0x3a: {  	_ = 	snop  }
0x3b: {  	_ = 	snop  }
0x3c: {  	p2 =	seq.s32 s10, $0x1;
	s10 =	sld [smem:$0x3FB8]  }
0x3d: {  	_ =	shalt  }
0x3e: {  	_ =	shalt  }
0x3f: {  	_ =	shalt  }
0x40: {  	_ =	shalt  }
0x41: {  	_ =	shalt  }
0x42: {  	_ =	shalt  }
0x43: {  	_ =	shalt  }
0x44: {  	_ =	shalt  }
0x45: {  	_ =	shalt  }
0x46: {  	_ =	shalt  }
0x47: {  	_ =	shalt  }
0x48: {  	_ =	shalt  }
0x49: {  	_ =	shalt  }
0x4a: {  	_ =	shalt  }
0x4b: {  	_ =	shalt  }
0x4c: {  	_ =	shalt  }
0x4d: {  	_ =	shalt  }
0x4e: {  	_ =	shalt  }
0x4f: {  	_ =	shalt  }
0x50: {  	_ =	shalt  }
0x51: {  	_ =	shalt  }
0x52: {  	_ =	shalt  }
0x53: {  	_ =	shalt  }
0x54: {  	_ =	shalt  }
0x55: {  	_ =	shalt  }
0x56: {  	_ =	shalt  }
0x57: {  	_ =	shalt  }
0x58: {  	_ =	shalt  }
0x59: {  	_ =	shalt  }
0x5a: {  	_ =	shalt  }
0x5b: {  	_ =	shalt  }
0x5c: {  	_ =	shalt  }
0x5d: {  	_ =	shalt  }
0x5e: {  	_ =	shalt  }
0x5f: {  	_ =	shalt  }
0x60: {  	_ =	shalt  }
0x61: {  	_ =	shalt  }
0x62: {  	_ =	shalt  }
0x63: {  	_ =	shalt  }
0x64: {  	_ =	shalt  }
0x65: {  	_ =	shalt  }
0x66: {  	_ =	shalt  }
0x67: {  	_ =	shalt  }
0x68: {  	_ =	shalt  }
0x69: {  	_ =	shalt  }
0x6a: {  	_ =	shalt  }
0x6b: {  	_ =	shalt  }
0x6c: {  	_ =	shalt  }
0x6d: {  	_ =	shalt  }
0x6e: {  	_ =	shalt  }
0x6f: {  	_ =	shalt  }
0x70: {  	_ =	shalt  }
0x71: {  	_ =	shalt  }
0x72: {  	_ =	shalt  }
0x73: {  	_ =	shalt  }
0x74: {  	_ =	shalt  }
0x75: {  	_ =	shalt  }
0x76: {  	_ =	shalt  }
0x77: {  	_ =	shalt  }
0x78: {  	_ =	shalt  }
0x79: {  	_ =	shalt  }
0x7a: {  	_ =	shalt  }
0x7b: {  	_ =	shalt  }
0x7c: {  	_ =	shalt  }
0x7d: {  	_ =	shalt  }
0x7e: {  	_ =	shalt  }
0x7f: {  	_ =	shalt  }
0x80: {  	_ =	shalt  }
0x81: {  	_ =	shalt  }
0x82: {  	_ =	shalt  }
0x83: {  	_ =	shalt  }
0x84: {  	_ =	shalt  }
0x85: {  	_ =	shalt  }
0x86: {  	_ =	shalt  }
0x87: {  	_ =	shalt  }
.Lfunc_end0:
.L_simem_size_0:
called_computation_lowered:
.L_overlay_start_0:
0x88: {  	s2 =	sld [smem:$0x3FD9]  }
0x89: {  	s3 =	sld [smem:$0x3FFE];
	_ =	sdelay $0x1  }
0x8a: {  	s1 =	srdreg.scid  }
0x8b: {  	s0 =	sand.u32 $0x1, s1  }
0x8c: {  	s17 =	sshll.u32 s0, $0xA;
	s2 =	sadd.s32 s3, s2  }
0x8d: {  	s2 =	sadd.s32 s2, s17  }
0x8e: {  	[smem:$0x3FC4] =	sst s2  }
0x8f: {  	_ = 	snop  }
0x90: {  	s2 =	sld [smem:$0x3FC9]  }
0x91: {  	s18 =	sld [smem:$0x3FD0];
	(tm) =	ssettm $0x1  }
0x92: {  	s4 =	sld [smem:$0x3FFB];
	_ =	sdelay $0x3  }
0x93: {  	_ =	strace s4  }
0x94: {  	s4 =	sld [smem:$0x3FFC];
	_ =	sdelay $0x3  }
0x95: {  	_ =	strace s4  }
0x96: {  	s4 =	sld [smem:$0x3FFD];
	_ =	sdelay $0x3  }
0x97: {  	_ =	strace s4  }
0x98: {  	_ =	strace $0x8FFFFFFF  }
0x99: {  	s19 =	sld [smem:$0x3FDB];
	_ =	sdelay $0x1  }
0x9a: {  	s5 =	simm.s32 $_scs_section_size  }
0x9b: {  	s6 =	simm.s32 $_size__tile_overlayer_lowered;
	s7 =	simm.s32 $_tile_overlayer_lowered  }
0x9c: {  	s22 =	simm.s32 $0x1BFF;
	s21 =	sshll.u32 s7, $0x1;
	s4 =	sadd.s32 s5, s19  }
0x9d: {  	s8 =	simm.s32 $0x0;
	s20 =	sshll.u32 s6, $0x1;
	s6 =	sadd.s32 s21, s4  }
0x9e: {  	[timem:s8], [sflag:s22] =	dma.local [hbm:s6], s20  }
0x9f: {  	_ =	swait.ge [sflag:s22], s20  }
0xa0: {  	s5 =	ssub.s32 $0x0, s20;
	[sflag:s22] =	ssyncset.done $0x0  }
0xa1: {  	[sflag:s22] =	ssyncadd.s32 s5;
	_ =	sdelay $0x1  }
0xa2: {  	s23 =	simm.s32 $0x1B8B  }
0xa3: {  	_ =	swait.ge [sflag:s23], $0x1  }
0xa4: {  	[sflag:s23] =	ssyncset.done $0x0  }
0xa5: {  	s25 =	simm.s32 $0x1B8E;
	s24 =	sld [smem:$0x3FFE];
	[sflag:s23] =	ssyncadd.s32 $0xFFFFFFFF  }
0xa6: {  	s26 =	simm.s32 $execute0_lowered;
	[smem:$0x3FD2] =	sst s25  }
0xa7: {  	s6 =	sshll.u32 s26, $0x1;
	_ =	strace $0x80000046;
	[dreg:$0x1] =	wrdreg $0xFFFFFFFF  }
0xa8: {  	s28 =	simm.s32 $_size_execute0_lowered;
	s4 =	sadd.s32 s4, s6;
	[dreg:$0x0] =	wrdreg $0x0  }
0xa9: {  	s6 =	sshll.u32 s28, $0x1;
	[dreg:$0x2] =	wrdreg s4  }
0xaa: {  	[dreg:$0x3] =	wrdreg s6  }
0xab: {  	[dreg:$0x4] =	wrdreg $0xC0  }
0xac: {  	_ =	task [dreg:s8], $0x5FFFF  }
0xad: {  	[dreg:$0x1] =	wrdreg $0xFFFFFFFF  }
0xae: {  	[dreg:$0x0] =	wrdreg $0x60  }
0xaf: {  	[dreg:$0x2] =	wrdreg s24  }
0xb0: {  	[dreg:$0x3] =	wrdreg s2  }
0xb1: {  	[dreg:$0x4] =	wrdreg s18  }
0xb2: {  	[dreg:$0x5] =	wrdreg $0x192800  }
0xb3: {  	[dreg:$0x6] =	wrdreg $0x9  }
0xb4: {  	_ =	task.clear_ibuf [dreg:s8], $0x7FFFF;
	_ =	strace $0x90000046  }
0xb5: {  	s29 =	simm.s32 $0x9;
	_ =	strace $0x80000048  }
0xb6: {  	_ =	swait.ge [sflag:s29], $0x1  }
0xb7: {  	[sflag:s29] =	ssyncadd.s32 $0xFFFFFFFF  }
0xb8: {  	_ =	strace $0x90000048  }
0xb9: {  	_ =	sfence  }
0xba: {  	s30 =	sld [smem:$0x0];
	_ =	sdelay $0x2  }
0xbb: {  	s31 =	sshll.u32 s1, $0xD;
	s1 =	sshrl.u32 s1, $0x2  }
0xbc: {  	s3 =	sand.u32 $0x4000, s31;
	s1 =	sadd.s32 s1, s30  }
0xbd: {  	s0 =	sor.u32 s3, s0;
	s1 =	sshll.u32 s1, $0x11  }
0xbe: {  	s0 =	sor.u32 s1, s0  }
0xbf: {  	s0 =	sadd.s32 $0x8F2B, s0  }
0xc0: {  	[sflag:s0] =	ssyncadd.remote.s32 $0x1  }
0xc1: {  	_ =	sfence.sel $0xFFFF  }
0xc2: {  	[dreg:$0x0] =	wrdreg $0xFFFFFFFF;
	(pc) =	sbr.abs _section_cstart, $3  }
0xc3: {  	[dreg:$0x1] =	wrdreg $0xFFFFFFFF  }
0xc4: {  	_ =	task.clear_ibuf [dreg:s8], $0x2FFFF;
	_ =	strace $0x9FFFFFFF  }
0xc5: {  	(tm) =	ssettm $0x7FFFFFFF  }
tec
execute0_lowered:
.L_overlay_start_1:
0x0: {  	(tag) =	ssettag $0x1  }
0x1: {  	s0 =	rddreg [dreg:$0x0]  }
0x2: {  	s1 =	rddreg [dreg:$0x1]  }
0x3: {  	s3 =	rddreg [dreg:$0x2]  }
0x4: {  	s2 =	srdreg.scid;
	s5 =	stileid.u32;
	s28 =	simm.s32 $0x1  }
0x5: {  	s31 =	simm.s32 $0x2;
	s4 =	sand.u32 $0x1, s2;
	s6 =	sshll.u32 s5, $0x6  }
0x6: {  	s2 =	simm.s32 $0x0;
	s11 =	sshll.u32 s5, $0x9;
	s0 =	sadd.s32 $0x600, s0  }
0x7: {  	p0 =	sne.s32 s5, $0x0;
	s7 =	sshll.u32 s4, $0x5;
	[smem:$0x7FF] =	sst s2  }
0x8: {  	s24 =	ssub.s32 $0x2, s4;
	s6 =	sor.u32 s7, s6;
	_ =	strace $0x80000047  }
0x9: {  	[dreg:$0x5] =	wrdreg s0;
	s26 =	sshrl.u32 s24, $0x1;
	s18 =	sor.u32 s11, s6  }
0xa: {  	s12 =	sand.u32 $0x60, s6;
	s0 =	ssub.s32 s24, s26;
	s23 =	sand.u32 $0x1C60, s18  }
0xb: {  	s8 =	sshrl.u32 s12, $0x3;
	s14 =	sor.u32 s11, s12;
	s18 =	sshrl.u32 s18, $0x3  }
0xc: {  	s25 =	sshrl.u32 s23, $0x3;
	s13 =	sor.u32 s6, s8;
	s19 =	sshrl.u32 s14, $0x3  }
0xd: {  	s6 =	sshrl.u32 s6, $0x3;
	s20 =	sor.u32 $0x470, s18;
	s4 =	sadd.s32 s1, s25  }
0xe: {  	s10 =	sor.u32 $0x60, s13;
	s13 =	sor.u32 $0x70, s13;
	s16 =	sor.u32 $0x440, s19  }
0xf: {  	s17 =	sor.u32 $0x450, s19;
	s19 =	sor.u32 $0x460, s19;
	s6 =	smul.u32 $0x280, s6  }
0x10: {  	s25 =	smax.u32 s0, $0x1;
	s0 =	simm.s32 $0x0;
	s29 =	sadd.s32 $0x10, s4  }
0x11: {  	s30 =	sadd.s32 $0x20, s4;
	s7 =	sadd.s32 $0x30, s4;
	s8 =	sadd.s32 $0x40, s4  }
0x12: {  	s9 =	sadd.s32 $0x50, s4;
	s10 =	sadd.s32 s1, s10;
	s11 =	sadd.s32 s1, s13  }
0x13: {  	s12 =	sadd.s32 $0x400, s4;
	s13 =	sadd.s32 $0x410, s4;
	s14 =	sadd.s32 $0x420, s4  }
0x14: {  	s15 =	sadd.s32 $0x430, s4;
	s16 =	sadd.s32 s1, s16;
	s17 =	sadd.s32 s1, s17  }
0x15: {  	s18 =	sadd.s32 s1, s19;
	s19 =	sadd.s32 s1, s20;
	s20 =	sadd.s32 $0x800, s4  }
0x16: {  	s21 =	sadd.s32 $0x810, s4;
	s23 =	sadd.s32 $0x820, s4;
	[dreg:$0x6] =	wrdreg s29  }
0x17: {  	s24 =	sadd.s32 $0x830, s4;
	[dreg:$0x7] =	wrdreg s30;
	s22 =	sadd.s32 s3, s6  }
.LBB2_1:
0x18: {  	s5 =	rddreg [dreg:$0x3]  }
0x19: {  	s3 =	simm.s32 @!p0 $0x1C02;
	s6 =	rddreg [dreg:$0x5];
	s1 =	sshrl.u32 @!p0 s5, $0x3  }
0x1a: {  	[spmem:s1], [sflag:s3] =	dma.local @!p0 [hbm:s6], $0x3E80  }
0x1b: {  	s1 =	simm.s32 @!p0 $0x2  }
0x1c: {  	_ =	swait.ge @!p0 [sflag:s1], $0x3E80  }
0x1d: {  	[sflag:s1] =	ssyncset.done @!p0 $0x0  }
0x1e: {  	[sflag:s1] =	ssyncadd.s32 @!p0 $0xFFFFC180  }
0x1f: {  	[tilespmem:s2], [sflag:$0x1] =	stream.linear.gather [hbm4b:s4+s2], $0x20, $0x38;
	[tilespmem:$0x1B1C0] =	vst v63  }
0x20: {  	s26 =	simm.s32 $0x20;
	s6 =	rddreg [dreg:$0x6]  }
0x21: {  	[tilespmem:s26], [sflag:$0x1] =	stream.linear.gather [hbm4b:s6+s2], $0x20, $0x38;
	[tilespmem:$0x1B1C0] =	vst v63  }
0x22: {  	s6 =	rddreg [dreg:$0x7];
	s26 =	simm.s32 $0x40  }
0x23: {  	[tilespmem:s26], [sflag:$0x1] =	stream.linear.gather [hbm4b:s6+s2], $0x20, $0x38;
	[tilespmem:$0x1B1C0] =	vst v63  }
0x24: {  	s3 =	simm.s32 $0x60  }
0x25: {  	[tilespmem:s3], [sflag:$0x1] =	stream.linear.gather [hbm4b:s7+s2], $0x20, $0x38;
	[tilespmem:$0x1B1C0] =	vst v63  }
0x26: {  	s6 =	simm.s32 $0x80  }
0x27: {  	[tilespmem:s6], [sflag:$0x1] =	stream.linear.gather [hbm4b:s8+s2], $0x20, $0x38;
	[tilespmem:$0x1B1C0] =	vst v63  }
0x28: {  	s26 =	simm.s32 $0xA0  }
0x29: {  	[tilespmem:s26], [sflag:$0x1] =	stream.linear.gather [hbm4b:s9+s2], $0x20, $0x38;
	[tilespmem:$0x1B1C0] =	vst v63  }
0x2a: {  	s3 =	simm.s32 $0xC0  }
0x2b: {  	[tilespmem:s3], [sflag:$0x1] =	stream.linear.gather [hbm4b:s10+s2], $0x20, $0x38;
	[tilespmem:$0x1B1C0] =	vst v63  }
0x2c: {  	s6 =	simm.s32 $0xE0  }
0x2d: {  	[tilespmem:s6], [sflag:$0x1] =	stream.linear.gather [hbm4b:s11+s2], $0x20, $0x38;
	[tilespmem:$0x1B1C0] =	vst v63  }
0x2e: {  	s26 =	simm.s32 $0x100  }
0x2f: {  	[tilespmem:s26], [sflag:$0x1] =	stream.linear.gather [hbm4b:s12+s2], $0x20, $0x38;
	[tilespmem:$0x1B1C0] =	vst v63  }
0x30: {  	s3 =	simm.s32 $0x120  }
0x31: {  	[tilespmem:s3], [sflag:$0x1] =	stream.linear.gather [hbm4b:s13+s2], $0x20, $0x38;
	[tilespmem:$0x1B1C0] =	vst v63  }
0x32: {  	s6 =	simm.s32 $0x140  }
0x33: {  	[tilespmem:s6], [sflag:$0x1] =	stream.linear.gather [hbm4b:s14+s2], $0x20, $0x38;
	[tilespmem:$0x1B1C0] =	vst v63  }
0x34: {  	s26 =	simm.s32 $0x160  }
0x35: {  	[tilespmem:s26], [sflag:$0x1] =	stream.linear.gather [hbm4b:s15+s2], $0x20, $0x38;
	[tilespmem:$0x1B1C0] =	vst v63  }
0x36: {  	s3 =	simm.s32 $0x180  }
0x37: {  	[tilespmem:s3], [sflag:$0x1] =	stream.linear.gather [hbm4b:s16+s2], $0x20, $0x38;
	[tilespmem:$0x1B1C0] =	vst v63  }
0x38: {  	s6 =	simm.s32 $0x1A0  }
0x39: {  	[tilespmem:s6], [sflag:$0x1] =	stream.linear.gather [hbm4b:s17+s2], $0x20, $0x38;
	[tilespmem:$0x1B1C0] =	vst v63  }
0x3a: {  	s26 =	simm.s32 $0x1C0  }
0x3b: {  	[tilespmem:s26], [sflag:$0x1] =	stream.linear.gather [hbm4b:s18+s2], $0x20, $0x38;
	[tilespmem:$0x1B1C0] =	vst v63  }
0x3c: {  	s3 =	simm.s32 $0x1E0  }
0x3d: {  	[tilespmem:s3], [sflag:$0x1] =	stream.linear.gather [hbm4b:s19+s2], $0x20, $0x38;
	[tilespmem:$0x1B1C0] =	vst v63  }
0x3e: {  	s6 =	simm.s32 $0x200  }
0x3f: {  	[tilespmem:s6], [sflag:$0x1] =	stream.linear.gather [hbm4b:s20+s2], $0x20, $0x38;
	[tilespmem:$0x1B1C0] =	vst v63  }
0x40: {  	s26 =	simm.s32 $0x220  }
0x41: {  	[tilespmem:s26], [sflag:$0x1] =	stream.linear.gather [hbm4b:s21+s2], $0x20, $0x38;
	[tilespmem:$0x1B1C0] =	vst v63  }
0x42: {  	s3 =	simm.s32 $0x240  }
0x43: {  	[tilespmem:s3], [sflag:$0x1] =	stream.linear.gather [hbm4b:s23+s2], $0x20, $0x38;
	[tilespmem:$0x1B1C0] =	vst v63  }
0x44: {  	s6 =	simm.s32 $0x260  }
0x45: {  	[tilespmem:s6], [sflag:$0x1] =	stream.linear.gather [hbm4b:s24+s2], $0x20, $0x38;
	[tilespmem:$0x1B1C0] =	vst v63  }
0x46: {  	_ =	swait.ge [sflag:s28], $0x20  }
0x47: {  	[sflag:s28] =	ssyncset.done $0x0  }
0x48: {  	[sflag:s28] =	ssyncadd.s32 $0xFFFFFFE0  }
0x49: {  	_ =	swait.ge [sflag:s28], $0x20  }
0x4a: {  	[sflag:s28] =	ssyncset.done $0x0  }
0x4b: {  	[sflag:s28] =	ssyncadd.s32 $0xFFFFFFE0  }
0x4c: {  	_ =	swait.ge [sflag:s28], $0x20  }
0x4d: {  	[sflag:s28] =	ssyncset.done $0x0  }
0x4e: {  	[sflag:s28] =	ssyncadd.s32 $0xFFFFFFE0  }
0x4f: {  	_ =	swait.ge [sflag:s28], $0x20  }
0x50: {  	[sflag:s28] =	ssyncset.done $0x0  }
0x51: {  	[sflag:s28] =	ssyncadd.s32 $0xFFFFFFE0  }
0x52: {  	_ =	swait.ge [sflag:s28], $0x20  }
0x53: {  	[sflag:s28] =	ssyncset.done $0x0  }
0x54: {  	[sflag:s28] =	ssyncadd.s32 $0xFFFFFFE0  }
0x55: {  	_ =	swait.ge [sflag:s28], $0x20  }
0x56: {  	[sflag:s28] =	ssyncset.done $0x0  }
0x57: {  	[sflag:s28] =	ssyncadd.s32 $0xFFFFFFE0  }
0x58: {  	_ =	swait.ge [sflag:s28], $0x20  }
0x59: {  	[sflag:s28] =	ssyncset.done $0x0  }
0x5a: {  	[sflag:s28] =	ssyncadd.s32 $0xFFFFFFE0  }
0x5b: {  	_ =	swait.ge [sflag:s28], $0x20  }
0x5c: {  	[sflag:s28] =	ssyncset.done $0x0  }
0x5d: {  	[sflag:s28] =	ssyncadd.s32 $0xFFFFFFE0  }
0x5e: {  	_ =	swait.ge [sflag:s28], $0x20  }
0x5f: {  	[sflag:s28] =	ssyncset.done $0x0  }
0x60: {  	[sflag:s28] =	ssyncadd.s32 $0xFFFFFFE0  }
0x61: {  	_ =	swait.ge [sflag:s28], $0x20  }
0x62: {  	[sflag:s28] =	ssyncset.done $0x0  }
0x63: {  	[sflag:s28] =	ssyncadd.s32 $0xFFFFFFE0  }
0x64: {  	_ =	swait.ge [sflag:s28], $0x20  }
0x65: {  	[sflag:s28] =	ssyncset.done $0x0  }
0x66: {  	[sflag:s28] =	ssyncadd.s32 $0xFFFFFFE0  }
0x67: {  	_ =	swait.ge [sflag:s28], $0x20  }
0x68: {  	[sflag:s28] =	ssyncset.done $0x0  }
0x69: {  	[sflag:s28] =	ssyncadd.s32 $0xFFFFFFE0  }
0x6a: {  	_ =	swait.ge [sflag:s28], $0x20  }
0x6b: {  	[sflag:s28] =	ssyncset.done $0x0  }
0x6c: {  	[sflag:s28] =	ssyncadd.s32 $0xFFFFFFE0  }
0x6d: {  	_ =	swait.ge [sflag:s28], $0x20  }
0x6e: {  	[sflag:s28] =	ssyncset.done $0x0  }
0x6f: {  	[sflag:s28] =	ssyncadd.s32 $0xFFFFFFE0  }
0x70: {  	_ =	swait.ge [sflag:s28], $0x20  }
0x71: {  	[sflag:s28] =	ssyncset.done $0x0  }
0x72: {  	[sflag:s28] =	ssyncadd.s32 $0xFFFFFFE0  }
0x73: {  	_ =	swait.ge [sflag:s28], $0x20  }
0x74: {  	[sflag:s28] =	ssyncset.done $0x0  }
0x75: {  	[sflag:s28] =	ssyncadd.s32 $0xFFFFFFE0  }
0x76: {  	_ =	swait.ge [sflag:s28], $0x20  }
0x77: {  	[sflag:s28] =	ssyncset.done $0x0  }
0x78: {  	[sflag:s28] =	ssyncadd.s32 $0xFFFFFFE0  }
0x79: {  	_ =	swait.ge [sflag:s28], $0x20  }
0x7a: {  	[sflag:s28] =	ssyncset.done $0x0  }
0x7b: {  	[sflag:s28] =	ssyncadd.s32 $0xFFFFFFE0  }
0x7c: {  	_ =	swait.ge [sflag:s28], $0x20  }
0x7d: {  	[sflag:s28] =	ssyncset.done $0x0  }
0x7e: {  	[sflag:s28] =	ssyncadd.s32 $0xFFFFFFE0  }
0x7f: {  	_ =	swait.ge [sflag:s28], $0x20  }
0x80: {  	[sflag:s28] =	ssyncset.done $0x0  }
0x81: {  	[sflag:s28] =	ssyncadd.s32 $0xFFFFFFE0  }
0x82: {  	s26 =	simm.s32 $0x280;
	[bflag:$0x0] =	sbarrier.arrive $0xFFFF  }
0x83: {  	[tilespmem:s26], [sflag:$0x1] =	stream.indirect.gather [spmem:s5], $0x80, s2, s26, $0xb8;
	[tilespmem:$0x1B1C0] =	vst v63  }
0x84: {  	_ =	swait.ge [sflag:s28], $0x14000  }
0x85: {  	[sflag:s28] =	ssyncset.done $0x0  }
0x86: {  	s6 =	simm.s32 $0x0;
	[sflag:s28] =	ssyncadd.s32 $0xFFFEC000  }
0x87: {  	s3 =	simm.s32 $0x0;
	v0 =	vld [tilespmem:s6+$0x280]  }
0x88: {  	s1 =	smul.u32 $0x5000, s3;
	_ =	sdelay $0x1  }
0x89: {  	s1 =	sshra.s32 s1, $0x2;
	s5 =	sand.u32 $0x380, s2  }
0x8a: {  	s3 =	sor.u32 s5, s1  }
0x8b: {  	[tilespmem:s3+$0x14280] =	vst v0  }
0x8c: {  	v0 =	vld [tilespmem:s6+$0x290];
	_ =	sdelay $0x3  }
0x8d: {  	s1 =	sadd.s32 $0x14280, s3  }
0x8e: {  	[tilespmem:s1+$0x10] =	vst v0  }
0x8f: {  	v0 =	vld [tilespmem:s6+$0x1280];
	_ =	sdelay $0x4  }
0x90: {  	[tilespmem:s1+$0x20] =	vst v0  }
0x91: {  	v0 =	vld [tilespmem:s6+$0x1290];
	_ =	sdelay $0x4  }
0x92: {  	[tilespmem:s1+$0x30] =	vst v0  }
0x93: {  	v0 =	vld [tilespmem:s6+$0x2280];
	_ =	sdelay $0x4  }
0x94: {  	[tilespmem:s1+$0x40] =	vst v0  }
0x95: {  	v0 =	vld [tilespmem:s6+$0x2290];
	_ =	sdelay $0x4  }
0x96: {  	[tilespmem:s1+$0x50] =	vst v0  }
0x97: {  	v0 =	vld [tilespmem:s6+$0x3280];
	_ =	sdelay $0x4  }
0x98: {  	[tilespmem:s1+$0x60] =	vst v0  }
0x99: {  	v0 =	vld [tilespmem:s6+$0x3290];
	_ =	sdelay $0x4  }
0x9a: {  	[tilespmem:s1+$0x70] =	vst v0  }
0x9b: {  	v0 =	vld [tilespmem:s6+$0x4280];
	_ =	sdelay $0x4  }
0x9c: {  	[tilespmem:s3+$0x14680] =	vst v0  }
0x9d: {  	v0 =	vld [tilespmem:s6+$0x4290];
	_ =	sdelay $0x3  }
0x9e: {  	s26 =	sadd.s32 $0x14680, s3  }
0x9f: {  	[tilespmem:s26+$0x10] =	vst v0  }
0xa0: {  	v0 =	vld [tilespmem:s6+$0x5280];
	_ =	sdelay $0x4  }
0xa1: {  	[tilespmem:s26+$0x20] =	vst v0  }
0xa2: {  	v0 =	vld [tilespmem:s6+$0x5290];
	_ =	sdelay $0x4  }
0xa3: {  	[tilespmem:s26+$0x30] =	vst v0  }
0xa4: {  	v0 =	vld [tilespmem:s6+$0x6280];
	_ =	sdelay $0x4  }
0xa5: {  	[tilespmem:s26+$0x40] =	vst v0  }
0xa6: {  	v0 =	vld [tilespmem:s6+$0x6290];
	_ =	sdelay $0x4  }
0xa7: {  	[tilespmem:s26+$0x50] =	vst v0  }
0xa8: {  	v0 =	vld [tilespmem:s6+$0x7280];
	_ =	sdelay $0x4  }
0xa9: {  	[tilespmem:s26+$0x60] =	vst v0  }
0xaa: {  	v0 =	vld [tilespmem:s6+$0x7290];
	_ =	sdelay $0x4  }
0xab: {  	[tilespmem:s26+$0x70] =	vst v0  }
0xac: {  	v0 =	vld [tilespmem:s6+$0x8280];
	_ =	sdelay $0x4  }
0xad: {  	[tilespmem:s3+$0x14A80] =	vst v0  }
0xae: {  	v0 =	vld [tilespmem:s6+$0x8290];
	_ =	sdelay $0x3  }
0xaf: {  	s5 =	sadd.s32 $0x14A80, s3  }
0xb0: {  	[tilespmem:s5+$0x10] =	vst v0  }
0xb1: {  	v0 =	vld [tilespmem:s6+$0x9280];
	_ =	sdelay $0x4  }
0xb2: {  	[tilespmem:s5+$0x20] =	vst v0  }
0xb3: {  	v0 =	vld [tilespmem:s6+$0x9290];
	_ =	sdelay $0x4  }
0xb4: {  	[tilespmem:s5+$0x30] =	vst v0  }
0xb5: {  	v0 =	vld [tilespmem:s6+$0xA280];
	_ =	sdelay $0x4  }
0xb6: {  	[tilespmem:s5+$0x40] =	vst v0  }
0xb7: {  	v0 =	vld [tilespmem:s6+$0xA290];
	_ =	sdelay $0x4  }
0xb8: {  	[tilespmem:s5+$0x50] =	vst v0  }
0xb9: {  	v0 =	vld [tilespmem:s6+$0xB280];
	_ =	sdelay $0x4  }
0xba: {  	[tilespmem:s5+$0x60] =	vst v0  }
0xbb: {  	v0 =	vld [tilespmem:s6+$0xB290];
	_ =	sdelay $0x4  }
0xbc: {  	[tilespmem:s5+$0x70] =	vst v0  }
0xbd: {  	v0 =	vld [tilespmem:s6+$0xC280];
	_ =	sdelay $0x4  }
0xbe: {  	[tilespmem:s3+$0x14E80] =	vst v0  }
0xbf: {  	v0 =	vld [tilespmem:s6+$0xC290];
	_ =	sdelay $0x3  }
0xc0: {  	s26 =	sadd.s32 $0x14E80, s3  }
0xc1: {  	[tilespmem:s26+$0x10] =	vst v0  }
0xc2: {  	v0 =	vld [tilespmem:s6+$0xD280];
	_ =	sdelay $0x4  }
0xc3: {  	[tilespmem:s26+$0x20] =	vst v0  }
0xc4: {  	v0 =	vld [tilespmem:s6+$0xD290];
	_ =	sdelay $0x4  }
0xc5: {  	[tilespmem:s26+$0x30] =	vst v0  }
0xc6: {  	v0 =	vld [tilespmem:s6+$0xE280];
	_ =	sdelay $0x4  }
0xc7: {  	[tilespmem:s26+$0x40] =	vst v0  }
0xc8: {  	v0 =	vld [tilespmem:s6+$0xE290];
	_ =	sdelay $0x4  }
0xc9: {  	[tilespmem:s26+$0x50] =	vst v0  }
0xca: {  	v0 =	vld [tilespmem:s6+$0xF280];
	_ =	sdelay $0x4  }
0xcb: {  	[tilespmem:s26+$0x60] =	vst v0  }
0xcc: {  	v0 =	vld [tilespmem:s6+$0xF290];
	_ =	sdelay $0x4  }
0xcd: {  	[tilespmem:s26+$0x70] =	vst v0  }
0xce: {  	v0 =	vld [tilespmem:s6+$0x10280];
	_ =	sdelay $0x4  }
0xcf: {  	[tilespmem:s3+$0x15280] =	vst v0  }
0xd0: {  	v0 =	vld [tilespmem:s6+$0x10290];
	_ =	sdelay $0x3  }
0xd1: {  	s5 =	sadd.s32 $0x15280, s3  }
0xd2: {  	[tilespmem:s5+$0x10] =	vst v0  }
0xd3: {  	v0 =	vld [tilespmem:s6+$0x11280];
	_ =	sdelay $0x4  }
0xd4: {  	[tilespmem:s5+$0x20] =	vst v0  }
0xd5: {  	v0 =	vld [tilespmem:s6+$0x11290];
	_ =	sdelay $0x4  }
0xd6: {  	[tilespmem:s5+$0x30] =	vst v0  }
0xd7: {  	v0 =	vld [tilespmem:s6+$0x12280];
	_ =	sdelay $0x4  }
0xd8: {  	[tilespmem:s5+$0x40] =	vst v0  }
0xd9: {  	v0 =	vld [tilespmem:s6+$0x12290];
	_ =	sdelay $0x4  }
0xda: {  	[tilespmem:s5+$0x50] =	vst v0  }
0xdb: {  	v0 =	vld [tilespmem:s6+$0x13280];
	_ =	sdelay $0x4  }
0xdc: {  	[tilespmem:s5+$0x60] =	vst v0  }
0xdd: {  	v0 =	vld [tilespmem:s6+$0x13290];
	_ =	sdelay $0x1  }
0xde: {  	s29 =	simm.s32 $0x200  }
0xdf: {  	s30 =	simm.s32 $0x0;
	s1 =	simm.s32 $0x400;
	s26 =	simm.s32 $0x80  }
.LBB2_2:
0xe0: {  	s3 =	sshra.s32 s29, $0x2  }
0xe1: {  	[tilespmem:s5+$0x70] =	vst v0;
	s30 =	sadd.s32 $0x1, s30;
	s29 =	smov.u32 s1;
	s6 =	sadd.s32 $0x200, s1  }
0xe2: {  	p1 =	sne.s32 s1, $0x3E00;
	v0 =	vld [tilespmem:s3+$0x280];
	s1 =	sshrl.u32 s30, $0x3  }
0xe3: {  	s1 =	smul.u32 $0x5000, s1;
	_ =	sdelay $0x1  }
0xe4: {  	s5 =	sand.u32 $0x380, s26;
	s1 =	sshra.s32 s1, $0x2  }
0xe5: {  	s5 =	sor.u32 s5, s1  }
0xe6: {  	[tilespmem:s5+$0x14280] =	vst v0  }
0xe7: {  	v0 =	vld [tilespmem:s3+$0x290];
	_ =	sdelay $0x3  }
0xe8: {  	s1 =	sadd.s32 $0x14280, s5  }
0xe9: {  	[tilespmem:s1+$0x10] =	vst v0  }
0xea: {  	v0 =	vld [tilespmem:s3+$0x1280];
	_ =	sdelay $0x4  }
0xeb: {  	[tilespmem:s1+$0x20] =	vst v0  }
0xec: {  	v0 =	vld [tilespmem:s3+$0x1290];
	_ =	sdelay $0x4  }
0xed: {  	[tilespmem:s1+$0x30] =	vst v0  }
0xee: {  	v0 =	vld [tilespmem:s3+$0x2280];
	_ =	sdelay $0x4  }
0xef: {  	[tilespmem:s1+$0x40] =	vst v0  }
0xf0: {  	v0 =	vld [tilespmem:s3+$0x2290];
	_ =	sdelay $0x4  }
0xf1: {  	[tilespmem:s1+$0x50] =	vst v0  }
0xf2: {  	v0 =	vld [tilespmem:s3+$0x3280];
	_ =	sdelay $0x4  }
0xf3: {  	[tilespmem:s1+$0x60] =	vst v0  }
0xf4: {  	v0 =	vld [tilespmem:s3+$0x3290];
	_ =	sdelay $0x4  }
0xf5: {  	[tilespmem:s1+$0x70] =	vst v0  }
0xf6: {  	v0 =	vld [tilespmem:s3+$0x4280];
	_ =	sdelay $0x4  }
0xf7: {  	[tilespmem:s5+$0x14680] =	vst v0  }
0xf8: {  	v0 =	vld [tilespmem:s3+$0x4290];
	_ =	sdelay $0x3  }
0xf9: {  	s1 =	sadd.s32 $0x14680, s5  }
0xfa: {  	[tilespmem:s1+$0x10] =	vst v0  }
0xfb: {  	v0 =	vld [tilespmem:s3+$0x5280];
	_ =	sdelay $0x4  }
0xfc: {  	[tilespmem:s1+$0x20] =	vst v0  }
0xfd: {  	v0 =	vld [tilespmem:s3+$0x5290];
	_ =	sdelay $0x4  }
0xfe: {  	[tilespmem:s1+$0x30] =	vst v0  }
0xff: {  	v0 =	vld [tilespmem:s3+$0x6280];
	_ =	sdelay $0x4  }
0x100: {  	[tilespmem:s1+$0x40] =	vst v0  }
0x101: {  	v0 =	vld [tilespmem:s3+$0x6290];
	_ =	sdelay $0x4  }
0x102: {  	[tilespmem:s1+$0x50] =	vst v0  }
0x103: {  	v0 =	vld [tilespmem:s3+$0x7280];
	_ =	sdelay $0x4  }
0x104: {  	[tilespmem:s1+$0x60] =	vst v0  }
0x105: {  	v0 =	vld [tilespmem:s3+$0x7290];
	_ =	sdelay $0x4  }
0x106: {  	[tilespmem:s1+$0x70] =	vst v0  }
0x107: {  	v0 =	vld [tilespmem:s3+$0x8280];
	_ =	sdelay $0x4  }
0x108: {  	[tilespmem:s5+$0x14A80] =	vst v0  }
0x109: {  	v0 =	vld [tilespmem:s3+$0x8290];
	_ =	sdelay $0x3  }
0x10a: {  	s1 =	sadd.s32 $0x14A80, s5  }
0x10b: {  	[tilespmem:s1+$0x10] =	vst v0  }
0x10c: {  	v0 =	vld [tilespmem:s3+$0x9280];
	_ =	sdelay $0x4  }
0x10d: {  	[tilespmem:s1+$0x20] =	vst v0  }
0x10e: {  	v0 =	vld [tilespmem:s3+$0x9290];
	_ =	sdelay $0x4  }
0x10f: {  	[tilespmem:s1+$0x30] =	vst v0  }
0x110: {  	v0 =	vld [tilespmem:s3+$0xA280];
	_ =	sdelay $0x4  }
0x111: {  	[tilespmem:s1+$0x40] =	vst v0  }
0x112: {  	v0 =	vld [tilespmem:s3+$0xA290];
	_ =	sdelay $0x4  }
0x113: {  	[tilespmem:s1+$0x50] =	vst v0  }
0x114: {  	v0 =	vld [tilespmem:s3+$0xB280];
	_ =	sdelay $0x4  }
0x115: {  	[tilespmem:s1+$0x60] =	vst v0  }
0x116: {  	v0 =	vld [tilespmem:s3+$0xB290];
	_ =	sdelay $0x4  }
0x117: {  	[tilespmem:s1+$0x70] =	vst v0  }
0x118: {  	v0 =	vld [tilespmem:s3+$0xC280];
	_ =	sdelay $0x4  }
0x119: {  	[tilespmem:s5+$0x14E80] =	vst v0  }
0x11a: {  	v0 =	vld [tilespmem:s3+$0xC290];
	_ =	sdelay $0x3  }
0x11b: {  	s1 =	sadd.s32 $0x14E80, s5  }
0x11c: {  	[tilespmem:s1+$0x10] =	vst v0  }
0x11d: {  	v0 =	vld [tilespmem:s3+$0xD280];
	_ =	sdelay $0x4  }
0x11e: {  	[tilespmem:s1+$0x20] =	vst v0  }
0x11f: {  	v0 =	vld [tilespmem:s3+$0xD290];
	_ =	sdelay $0x4  }
0x120: {  	[tilespmem:s1+$0x30] =	vst v0  }
0x121: {  	v0 =	vld [tilespmem:s3+$0xE280];
	_ =	sdelay $0x4  }
0x122: {  	[tilespmem:s1+$0x40] =	vst v0  }
0x123: {  	v0 =	vld [tilespmem:s3+$0xE290];
	_ =	sdelay $0x4  }
0x124: {  	[tilespmem:s1+$0x50] =	vst v0  }
0x125: {  	v0 =	vld [tilespmem:s3+$0xF280];
	_ =	sdelay $0x4  }
0x126: {  	[tilespmem:s1+$0x60] =	vst v0  }
0x127: {  	v0 =	vld [tilespmem:s3+$0xF290];
	_ =	sdelay $0x4  }
0x128: {  	[tilespmem:s1+$0x70] =	vst v0  }
0x129: {  	v0 =	vld [tilespmem:s3+$0x10280];
	_ =	sdelay $0x4  }
0x12a: {  	[tilespmem:s5+$0x15280] =	vst v0  }
0x12b: {  	v0 =	vld [tilespmem:s3+$0x10290];
	_ =	sdelay $0x3  }
0x12c: {  	s5 =	sadd.s32 $0x15280, s5  }
0x12d: {  	[tilespmem:s5+$0x10] =	vst v0  }
0x12e: {  	v0 =	vld [tilespmem:s3+$0x11280];
	_ =	sdelay $0x4  }
0x12f: {  	[tilespmem:s5+$0x20] =	vst v0  }
0x130: {  	v0 =	vld [tilespmem:s3+$0x11290];
	_ =	sdelay $0x4  }
0x131: {  	[tilespmem:s5+$0x30] =	vst v0  }
0x132: {  	v0 =	vld [tilespmem:s3+$0x12280];
	_ =	sdelay $0x4  }
0x133: {  	[tilespmem:s5+$0x40] =	vst v0  }
0x134: {  	v0 =	vld [tilespmem:s3+$0x12290];
	_ =	sdelay $0x4  }
0x135: {  	[tilespmem:s5+$0x50] =	vst v0  }
0x136: {  	v0 =	vld [tilespmem:s3+$0x13280];
	_ =	sdelay $0x4  }
0x137: {  	[tilespmem:s5+$0x60] =	vst v0  }
.Ltmp0:
0x138: {  	v0 =	vld [tilespmem:s3+$0x13290];
	(pc) =	sbr.rel @p1 .LBB2_2-.Ltmp0, $2  }
0x139: {  	_ =	sdelay $0x2  }
0x13a: {  	s26 =	sadd.s32 $0x80, s26;
	s1 =	smov.u32 s6  }
0x13b: {  	s1 =	sshra.s32 s29, $0x2;
	[tilespmem:s5+$0x70] =	vst v0;
	s3 =	sadd.s32 $0x1, s30  }
0x13c: {  	v0 =	vld [tilespmem:s1+$0x280];
	s3 =	sshrl.u32 s3, $0x3  }
0x13d: {  	s3 =	smul.u32 $0x5000, s3;
	_ =	sdelay $0x1  }
0x13e: {  	s30 =	sand.u32 $0x380, s26;
	s3 =	sshra.s32 s3, $0x2  }
0x13f: {  	s3 =	sor.u32 s30, s3  }
0x140: {  	[tilespmem:s3+$0x14280] =	vst v0  }
0x141: {  	v0 =	vld [tilespmem:s1+$0x290];
	_ =	sdelay $0x3  }
0x142: {  	s5 =	sadd.s32 $0x14280, s3  }
0x143: {  	[tilespmem:s5+$0x10] =	vst v0  }
0x144: {  	v0 =	vld [tilespmem:s1+$0x1280];
	_ =	sdelay $0x4  }
0x145: {  	[tilespmem:s5+$0x20] =	vst v0  }
0x146: {  	v0 =	vld [tilespmem:s1+$0x1290];
	_ =	sdelay $0x4  }
0x147: {  	[tilespmem:s5+$0x30] =	vst v0  }
0x148: {  	v0 =	vld [tilespmem:s1+$0x2280];
	_ =	sdelay $0x4  }
0x149: {  	[tilespmem:s5+$0x40] =	vst v0  }
0x14a: {  	v0 =	vld [tilespmem:s1+$0x2290];
	_ =	sdelay $0x4  }
0x14b: {  	[tilespmem:s5+$0x50] =	vst v0  }
0x14c: {  	v0 =	vld [tilespmem:s1+$0x3280];
	_ =	sdelay $0x4  }
0x14d: {  	[tilespmem:s5+$0x60] =	vst v0  }
0x14e: {  	v0 =	vld [tilespmem:s1+$0x3290];
	_ =	sdelay $0x4  }
0x14f: {  	[tilespmem:s5+$0x70] =	vst v0  }
0x150: {  	v0 =	vld [tilespmem:s1+$0x4280];
	_ =	sdelay $0x4  }
0x151: {  	[tilespmem:s3+$0x14680] =	vst v0  }
0x152: {  	v0 =	vld [tilespmem:s1+$0x4290];
	_ =	sdelay $0x3  }
0x153: {  	s6 =	sadd.s32 $0x14680, s3  }
0x154: {  	[tilespmem:s6+$0x10] =	vst v0  }
0x155: {  	v0 =	vld [tilespmem:s1+$0x5280];
	_ =	sdelay $0x4  }
0x156: {  	[tilespmem:s6+$0x20] =	vst v0  }
0x157: {  	v0 =	vld [tilespmem:s1+$0x5290];
	_ =	sdelay $0x4  }
0x158: {  	[tilespmem:s6+$0x30] =	vst v0  }
0x159: {  	v0 =	vld [tilespmem:s1+$0x6280];
	_ =	sdelay $0x4  }
0x15a: {  	[tilespmem:s6+$0x40] =	vst v0  }
0x15b: {  	v0 =	vld [tilespmem:s1+$0x6290];
	_ =	sdelay $0x4  }
0x15c: {  	[tilespmem:s6+$0x50] =	vst v0  }
0x15d: {  	v0 =	vld [tilespmem:s1+$0x7280];
	_ =	sdelay $0x4  }
0x15e: {  	[tilespmem:s6+$0x60] =	vst v0  }
0x15f: {  	v0 =	vld [tilespmem:s1+$0x7290];
	_ =	sdelay $0x4  }
0x160: {  	[tilespmem:s6+$0x70] =	vst v0  }
0x161: {  	v0 =	vld [tilespmem:s1+$0x8280];
	_ =	sdelay $0x4  }
0x162: {  	[tilespmem:s3+$0x14A80] =	vst v0  }
0x163: {  	v0 =	vld [tilespmem:s1+$0x8290];
	_ =	sdelay $0x3  }
0x164: {  	s26 =	sadd.s32 $0x14A80, s3  }
0x165: {  	[tilespmem:s26+$0x10] =	vst v0  }
0x166: {  	v0 =	vld [tilespmem:s1+$0x9280];
	_ =	sdelay $0x4  }
0x167: {  	[tilespmem:s26+$0x20] =	vst v0  }
0x168: {  	v0 =	vld [tilespmem:s1+$0x9290];
	_ =	sdelay $0x4  }
0x169: {  	[tilespmem:s26+$0x30] =	vst v0  }
0x16a: {  	v0 =	vld [tilespmem:s1+$0xA280];
	_ =	sdelay $0x4  }
0x16b: {  	[tilespmem:s26+$0x40] =	vst v0  }
0x16c: {  	v0 =	vld [tilespmem:s1+$0xA290];
	_ =	sdelay $0x4  }
0x16d: {  	[tilespmem:s26+$0x50] =	vst v0  }
0x16e: {  	v0 =	vld [tilespmem:s1+$0xB280];
	_ =	sdelay $0x4  }
0x16f: {  	[tilespmem:s26+$0x60] =	vst v0  }
0x170: {  	v0 =	vld [tilespmem:s1+$0xB290];
	_ =	sdelay $0x4  }
0x171: {  	[tilespmem:s26+$0x70] =	vst v0  }
0x172: {  	v0 =	vld [tilespmem:s1+$0xC280];
	_ =	sdelay $0x4  }
0x173: {  	[tilespmem:s3+$0x14E80] =	vst v0  }
0x174: {  	v0 =	vld [tilespmem:s1+$0xC290];
	_ =	sdelay $0x3  }
0x175: {  	s29 =	sadd.s32 $0x14E80, s3  }
0x176: {  	[tilespmem:s29+$0x10] =	vst v0  }
0x177: {  	v0 =	vld [tilespmem:s1+$0xD280];
	_ =	sdelay $0x4  }
0x178: {  	[tilespmem:s29+$0x20] =	vst v0  }
0x179: {  	v0 =	vld [tilespmem:s1+$0xD290];
	_ =	sdelay $0x4  }
0x17a: {  	[tilespmem:s29+$0x30] =	vst v0  }
0x17b: {  	v0 =	vld [tilespmem:s1+$0xE280];
	_ =	sdelay $0x4  }
0x17c: {  	[tilespmem:s29+$0x40] =	vst v0  }
0x17d: {  	v0 =	vld [tilespmem:s1+$0xE290];
	_ =	sdelay $0x4  }
0x17e: {  	[tilespmem:s29+$0x50] =	vst v0  }
0x17f: {  	v0 =	vld [tilespmem:s1+$0xF280];
	_ =	sdelay $0x4  }
0x180: {  	[tilespmem:s29+$0x60] =	vst v0  }
0x181: {  	v0 =	vld [tilespmem:s1+$0xF290];
	_ =	sdelay $0x4  }
0x182: {  	[tilespmem:s29+$0x70] =	vst v0  }
0x183: {  	v0 =	vld [tilespmem:s1+$0x10280];
	_ =	sdelay $0x4  }
0x184: {  	[tilespmem:s3+$0x15280] =	vst v0  }
0x185: {  	v0 =	vld [tilespmem:s1+$0x10290];
	_ =	sdelay $0x3  }
0x186: {  	s3 =	sadd.s32 $0x15280, s3  }
0x187: {  	[tilespmem:s3+$0x10] =	vst v0  }
0x188: {  	v0 =	vld [tilespmem:s1+$0x11280];
	_ =	sdelay $0x4  }
0x189: {  	[tilespmem:s3+$0x20] =	vst v0  }
0x18a: {  	v0 =	vld [tilespmem:s1+$0x11290];
	_ =	sdelay $0x4  }
0x18b: {  	[tilespmem:s3+$0x30] =	vst v0  }
0x18c: {  	v0 =	vld [tilespmem:s1+$0x12280];
	_ =	sdelay $0x4  }
0x18d: {  	[tilespmem:s3+$0x40] =	vst v0  }
0x18e: {  	v0 =	vld [tilespmem:s1+$0x12290];
	_ =	sdelay $0x4  }
0x18f: {  	[tilespmem:s3+$0x50] =	vst v0  }
0x190: {  	v0 =	vld [tilespmem:s1+$0x13280];
	_ =	sdelay $0x4  }
0x191: {  	[tilespmem:s3+$0x60] =	vst v0  }
0x192: {  	v0 =	vld [tilespmem:s1+$0x13290];
	_ =	sdelay $0x2  }
0x193: {  	s0 =	sadd.s32 $0x1, s0  }
0x194: {  	p1 =	sne.s32 s0, s25  }
.Ltmp1:
0x195: {  	s30 =	simm.s32 $0x14280;
	[tilespmem:s3+$0x70] =	vst v0;
	(pc) =	sbr.rel @p1 .LBB2_1-.Ltmp1, $4  }
0x196: {  	[hbm4b:s22+s2] =	stream.linear.scatter [tilespmem:s30], [sflag:$0x2], $0x5000, $0x38;
	[tilespmem:$0x1B1C0] =	vst v63  }
0x197: {  	_ =	swait.ge [sflag:s31], $0x5000  }
0x198: {  	[sflag:s31] =	ssyncset.done $0x0  }
0x199: {  	[sflag:s31] =	ssyncadd.s32 $0xFFFFB000  }
0x19a: {  	_ =	sfence.sel $0x180000  }
0x19b: {  	[bflag:$0x0] =	sbarrier.arrive $0xFFFF  }
0x19c: {  	_ =	strace $0x90000047  }
0x19d: {  	[bflag:$0x2] =	sbarrier.arrive $0xFFFF  }
0x19e: {  	s0 =	rddreg [dreg:$0x4]  }
0x19f: {  	s0 =	sadd.s32 @!p0 $0x100000, s0  }
0x1a0: {  	[sflag:s0] =	ssyncadd.tile.s32 @!p0 $0x1;
	_ =	shalt  }
.Lfunc_end2:
_tile_overlayer_lowered:
.L_overlay_start_2:
0x1a1: {  	(tag) =	ssettag $0x2  }
0x1a2: {  	s0 =	rddreg [dreg:$0x0];
	s2 =	stileid.u32  }
0x1a3: {  	s1 =	rddreg [dreg:$0x1];
	p0 =	sne.s32 s2, $0x0  }
0x1a4: {  	s3 =	rddreg [dreg:$0x2];
	[bflag:$0x3] =	sbarrier.arrive $0xFFFF;
	s2 =	simm.s32 @!p0 $0x1C02  }
0x1a5: {  	[timem:s3], [sflag:s2] =	dma.local @!p0 [hbm:s0], s1  }
0x1a6: {  	s0 =	simm.s32 @!p0 $0x2  }
0x1a7: {  	_ =	swait.ge @!p0 [sflag:s0], s1  }
0x1a8: {  	s1 =	ssub.s32 @!p0 $0x0, s1;
	[sflag:s0] =	ssyncset.done @!p0 $0x0  }
0x1a9: {  	[sflag:s0] =	ssyncadd.s32 @!p0 s1  }
0x1aa: {  	[bflag:$0x3] =	sbarrier.arrive $0xFFFF  }
0x1ab: {  	_ =	shalt  }

</sc_bundles>
